<compile_context>
chip_gen: v7x
topology: tpu7x:2x2x1
jax: 0.10.2.dev20260603
libtpu: 0.0.44.dev20260713+nightly
codegen_flags: <defaults>
</compile_context>

<pallas_src>
import jax
import jax.numpy as jnp
from jax import lax
from jax.experimental import pallas as pl
from jax.experimental.pallas import tpu as pltpu
from jax.experimental.pallas import tpu_sc as plsc

_B = 16
_TOT = 16384
_C = 64
_D = 32
_NDENSE = 8

_NW = 32
_S = 4096
_ROWS_PER_W = _S // _NW
_TBLK = 2048
_NB = (_TOT - _S) // _TBLK
_I0 = _S // _TBLK


def _sc_partials_kernel(f0t_hbm, f1t_hbm, cu0_hbm, cu1_hbm, p0_hbm, p1_hbm,
                        chunk0_v, chunk1_v, acc_v, trans_v, cu_v, av_v,
                        bv_v, sem0, sem1):
    wid = lax.axis_index("c") * 16 + lax.axis_index("s")
    lo = wid * _ROWS_PER_W
    tok_lo = pl.multiple_of(lo, _ROWS_PER_W)
    cp0 = pltpu.async_copy(
        f0t_hbm.at[:, pl.ds(tok_lo, _ROWS_PER_W)], chunk0_v, sem0)
    cp1 = pltpu.async_copy(
        f1t_hbm.at[:, pl.ds(tok_lo, _ROWS_PER_W)], chunk1_v, sem1)

    lane = lax.iota(jnp.int32, 16)
    lane64 = lane * 64
    ones = jnp.full((16,), 1, jnp.int32)
    zero = jnp.zeros((16,), jnp.float32)

    for cu_hbm, p_hbm, chunk_v, cp in ((cu0_hbm, p0_hbm, chunk0_v, cp0),
                                       (cu1_hbm, p1_hbm, chunk1_v, cp1)):
        pltpu.sync_copy(cu_hbm, cu_v)
        starts = plsc.load_gather(cu_v, [lane])
        ends = plsc.load_gather(cu_v, [lane + 1])

        av_v[...] = jnp.clip(starts - lo, 0, _ROWS_PER_W)
        bv_v[...] = jnp.clip(ends - lo, 0, _ROWS_PER_W)

        def zbody(s, carry):
            for k in range(4):
                acc_v[s, pl.ds(16 * k, 16)] = zero
            return carry

        lax.fori_loop(0, _B, zbody, 0)

        cp.wait()

        def seg_body(s, carry, chunk_v=chunk_v):
            a = plsc.load_gather(av_v, [ones * s])[0]
            b = plsc.load_gather(bv_v, [ones * s])[0]

            @pl.when(b > a)
            def _(a=a, b=b, s=s, chunk_v=chunk_v):
                g_lo = lax.shift_right_logical(a + 15, 4)
                g_hi = lax.shift_right_logical(b, 4)
                g_left = lax.shift_right_logical(a, 4)
                t_left = g_left * 16
                t_right = g_hi * 16
                t_right_ld = lax.min(t_right, _ROWS_PER_W - 16)
                pos_l = t_left + lane
                pos_r = t_right + lane
                in_seg_l = (pos_l >= a) & (pos_l < b)
                m_l = in_seg_l & ((pos_l < g_lo * 16) | (pos_l >= t_right))
                m_r = (pos_r >= a) & (pos_r < b) & (g_hi != g_left)

                def blk_body(blk, carry2, chunk_v=chunk_v):
                    c0 = blk * 8

                    def gbody(g, accs, c0=c0, chunk_v=chunk_v):
                        t = g * 16
                        return tuple(
                            accs[j] + chunk_v[c0 + j, pl.ds(t, 16)]
                            for j in range(8))

                    accs = lax.fori_loop(g_lo, g_hi, gbody, (zero,) * 8)
                    accs = tuple(
                        accs[j]
                        + jnp.where(m_l, chunk_v[c0 + j, pl.ds(t_left, 16)],
                                    0.0)
                        + jnp.where(m_r,
                                    chunk_v[c0 + j, pl.ds(t_right_ld, 16)],
                                    0.0)
                        for j in range(8))
                    for j in range(8):
                        plsc.store_scatter(trans_v, [lane64 + (c0 + j)],
                                           accs[j])
                    return carry2

                lax.fori_loop(0, _C // 8, blk_body, 0)

                def rbody(l, rs):
                    base = l * 64
                    return tuple(rs[k] + trans_v[pl.ds(base + 16 * k, 16)]
                                 for k in range(4))

                rs = lax.fori_loop(0, 16, rbody, (zero,) * 4)
                for k in range(4):
                    acc_v[s, pl.ds(16 * k, 16)] = rs[k]

            return carry

        lax.fori_loop(0, _B, seg_body, 0)
        pltpu.sync_copy(acc_v, p_hbm.at[wid])


def _sc_partials(f0t, f1t, cu0, cu1):
    mesh = plsc.VectorSubcoreMesh(core_axis_name="c", subcore_axis_name="s")
    f = pl.kernel(
        _sc_partials_kernel,
        mesh=mesh,
        compiler_params=pltpu.CompilerParams(needs_layout_passes=False),
        out_type=[
            jax.ShapeDtypeStruct((_NW, _B, _C), jnp.float32),
            jax.ShapeDtypeStruct((_NW, _B, _C), jnp.float32),
        ],
        scratch_types=[
            pltpu.VMEM((_C, _ROWS_PER_W), jnp.float32),
            pltpu.VMEM((_C, _ROWS_PER_W), jnp.float32),
            pltpu.VMEM((_B, _C), jnp.float32),
            pltpu.VMEM((_B * _C,), jnp.float32),
            pltpu.VMEM((_B + 1,), jnp.int32),
            pltpu.VMEM((16,), jnp.int32),
            pltpu.VMEM((16,), jnp.int32),
            pltpu.SemaphoreType.DMA,
            pltpu.SemaphoreType.DMA,
        ],
    )
    return f(f0t, f1t, cu0, cu1)


def _tc_body(cu0_ref, cu1_ref, x0_ref, x1_ref, t0_ref, t1_ref, acc0, acc1):
    i = pl.program_id(0)
    tok = (_S + i * _TBLK) + lax.broadcasted_iota(jnp.int32, (_B, _TBLK), 1)

    row = lax.broadcasted_iota(jnp.int32, (_B, 1), 0)
    zc = jnp.zeros((_B, 1), jnp.int32)
    cs0 = ce0 = cs1 = ce1 = zc
    for s in range(_B):
        cs0 = jnp.where(row == s, cu0_ref[s], cs0)
        ce0 = jnp.where(row == s, cu0_ref[s + 1], ce0)
        cs1 = jnp.where(row == s, cu1_ref[s], cs1)
        ce1 = jnp.where(row == s, cu1_ref[s + 1], ce1)

    oh0 = ((tok >= cs0) & (tok < ce0)).astype(jnp.float32)
    oh1 = ((tok >= cs1) & (tok < ce1)).astype(jnp.float32)
    dn = (((1,), (1,)), ((), ()))
    p0 = lax.dot_general(oh0, x0_ref[...], dn,
                         preferred_element_type=jnp.float32)
    p1 = lax.dot_general(oh1, x1_ref[...], dn,
                         preferred_element_type=jnp.float32)

    @pl.when(i == 0)
    def _():
        acc0[...] = p0
        acc1[...] = p1

    @pl.when(i > 0)
    def _():
        acc0[...] += p0
        acc1[...] += p1

    @pl.when(i == _NB - 1)
    def _():
        t0_ref[...] = acc0[...]
        t1_ref[...] = acc1[...]


def _tc_partials(f0t, f1t, cu0, cu1):
    smem = pl.BlockSpec(memory_space=pltpu.SMEM)
    blk = lambda: pl.BlockSpec((_C, _TBLK), lambda i: (0, i + _I0))
    out = lambda: pl.BlockSpec((_B, _C), lambda i: (0, 0))
    grid_spec = pltpu.PrefetchScalarGridSpec(
        num_scalar_prefetch=0,
        grid=(_NB,),
        in_specs=[smem, smem, blk(), blk()],
        out_specs=[out(), out()],
        scratch_shapes=[
            pltpu.VMEM((_B, _C), jnp.float32),
            pltpu.VMEM((_B, _C), jnp.float32),
        ],
    )
    return pl.pallas_call(
        _tc_body,
        grid_spec=grid_spec,
        out_shape=[
            jax.ShapeDtypeStruct((_B, _C), jnp.float32),
            jax.ShapeDtypeStruct((_B, _C), jnp.float32),
        ],
    )(cu0, cu1, f0t, f1t)


def _finish_body(cu0_ref, cu1_ref, p0_ref, p1_ref, t0_ref, t1_ref, xd_ref,
                 w0_ref, b0_ref, w1_ref, b1_ref, o_ref):
    outs = []
    for cu_ref, p_ref, t_ref, w_ref, b_ref in (
            (cu0_ref, p0_ref, t0_ref, w0_ref, b0_ref),
            (cu1_ref, p1_ref, t1_ref, w1_ref, b1_ref)):
        lmax = cu_ref[1] - cu_ref[0]
        for s in range(1, _B):
            lmax = lax.max(lmax, cu_ref[s + 1] - cu_ref[s])
        scale = 1.0 / lmax.astype(jnp.float32)
        pooled = (jnp.sum(p_ref[...], axis=0) + t_ref[...]) * scale
        outs.append(
            jnp.dot(pooled, w_ref[...], preferred_element_type=jnp.float32)
            + b_ref[...])
    o_ref[...] = jnp.concatenate([outs[0], outs[1], xd_ref[...]], axis=-1)


def _finish(cu0, cu1, p0, p1, t0, t1, x_dense, W0, b0, W1, b1):
    smem = pl.BlockSpec(memory_space=pltpu.SMEM)
    return pl.pallas_call(
        _finish_body,
        in_specs=[smem, smem] + [pl.BlockSpec(memory_space=pltpu.VMEM)] * 9,
        out_shape=jax.ShapeDtypeStruct((_B, 2 * _D + _NDENSE), jnp.float32),
    )(cu0, cu1, p0, p1, t0, t1, x_dense, W0, b0.reshape(1, _D), W1,
      b1.reshape(1, _D))


def kernel(flat0, flat1, cu0, cu1, x_dense, W0, b0, W1, b1):
    f0t = flat0.T
    f1t = flat1.T
    p0, p1 = _sc_partials(f0t, f1t, cu0, cu1)
    t0, t1 = _tc_partials(f0t, f1t, cu0, cu1)
    return _finish(cu0, cu1, p0, p1, t0, t1, x_dense, W0, b0, W1, b1)

# --- scband reference (transcript-rebuilt; emitter-appended) ---
"""Pipeline reference for scband-unify-55954833932925 (READ-ONLY COPY).

The authoritative reference and input builder live on the scoring server;
editing this copy changes nothing except your own understanding.
"""

import jax, jax.numpy as jnp
import numpy as np

B = 16
TOT = 16384
C = 64
D = 32
NDENSE = 8


def _make_cu(key):
    cuts = jnp.sort(jax.random.randint(key, (B - 1,), 0, TOT)).astype(jnp.int32)
    return jnp.concatenate([jnp.zeros((1,), jnp.int32), cuts, jnp.full((1,), TOT, jnp.int32)])


def setup_inputs(seed: int = 0) -> dict:
    key = jax.random.key(seed)
    ks = jax.random.split(key, 8)
    return {
        "flat0": jax.random.normal(ks[0], (TOT, C), dtype=jnp.float32),
        "flat1": jax.random.normal(ks[1], (TOT, C), dtype=jnp.float32),
        "cu0": _make_cu(ks[2]),
        "cu1": _make_cu(ks[3]),
        "x_dense": jax.random.normal(ks[4], (B, NDENSE), dtype=jnp.float32),
        "W0": jax.random.normal(ks[5], (C, D), dtype=jnp.float32) * 0.05,
        "b0": jnp.zeros((D,), dtype=jnp.float32),
        "W1": jax.random.normal(ks[6], (C, D), dtype=jnp.float32) * 0.05,
        "b1": jnp.zeros((D,), dtype=jnp.float32),
    }


def _pad_ragged(flat, cu):
    # Equivalent of: per-row torch.tensor(...).T -> pad_sequence(batch_first) -> permute(0,2,1)
    # flat: [TOT, C] ragged tokens, cu: [B+1] cumulative offsets.
    lens = cu[1:] - cu[:-1]
    lmax = jnp.max(lens)  # pad_sequence pads to the max length in the batch
    tok = jnp.arange(flat.shape[0])
    seg = jnp.searchsorted(cu[1:], tok, side="right")
    pos = tok - cu[seg]
    padded = jnp.zeros((B, flat.shape[0], flat.shape[1]), dtype=flat.dtype)
    padded = padded.at[seg, pos].set(flat)  # padding_value = 0.0
    return jnp.transpose(padded, (0, 2, 1)), lmax  # [B, C, TOT], traced Lmax


def _column_module(y, lmax, W, b):
    # per-column module applied to padded [B, C, Lpad]: mean-pool over length, then linear
    pooled = jnp.sum(y, axis=-1) / lmax.astype(y.dtype)  # [B, C]
    return pooled @ W + b  # [B, D]


def reference(flat0, flat1, cu0, cu1, x_dense, W0, b0, W1, b1):
    outs = []
    for flat, cu, W, b in ((flat0, cu0, W0, b0), (flat1, cu1, W1, b1)):
        y, lmax = _pad_ragged(flat, cu)
        outs.append(_column_module(y, lmax, W, b))
    # remaining (non-module) dense columns concatenated at the end, as in the torch code
    outs.append(x_dense.astype(jnp.float32))
    return jnp.concatenate(outs, axis=-1)  # [B, 2*D + NDENSE]

if __name__ == "__main__":
    import jax
    _d = setup_inputs()
    print(jax.jit(kernel)(*tuple(_d.values())))

</pallas_src>

<mosaic_0001>
#map = affine_map<(d0, d1) -> (0, 0)>
#map1 = affine_map<(d0, d1) -> (0)>
#map2 = affine_map<(d0, d1) -> (0, 0, 0)>
module attributes {stable_mosaic.version = 14 : i64} {
  func.func @_sc_partials_kernel(%arg0: i32, %arg1: i32, %arg2: memref<64x16384xf32, #tpu.memory_space<hbm>>, %arg3: memref<64x16384xf32, #tpu.memory_space<hbm>>, %arg4: memref<17xi32, #tpu.memory_space<hbm>>, %arg5: memref<17xi32, #tpu.memory_space<hbm>>, %arg6: memref<32x16x64xf32, #tpu.memory_space<hbm>>, %arg7: memref<32x16x64xf32, #tpu.memory_space<hbm>>, %arg8: memref<64x128xf32, #tpu.memory_space<vmem>>, %arg9: memref<64x128xf32, #tpu.memory_space<vmem>>, %arg10: memref<16x64xf32, #tpu.memory_space<vmem>>, %arg11: memref<1024xf32, #tpu.memory_space<vmem>>, %arg12: memref<17xi32, #tpu.memory_space<vmem>>, %arg13: memref<16xi32, #tpu.memory_space<vmem>>, %arg14: memref<16xi32, #tpu.memory_space<vmem>>, %arg15: memref<!tpu.dma_semaphore, #tpu.memory_space<semaphore_mem>>, %arg16: memref<!tpu.dma_semaphore, #tpu.memory_space<semaphore_mem>>) attributes {dimension_semantics = [#tpu.dimension_semantics<core_parallel>, #tpu.dimension_semantics<subcore_parallel>], iteration_bounds = array<i64: 2, 16>, scalar_prefetch = 0 : i64, scratch_operands = 9 : i64, tpu.core_type = #tpu.core_type<sc_vector_subcore>, window_params = [{transform_indices = #map}, {transform_indices = #map}, {transform_indices = #map1}, {transform_indices = #map1}, {transform_indices = #map2}, {transform_indices = #map2}]} {
    %mul3A = arith.constant 16 : i32
    %mul3A_0 = arith.muli %arg0, %mul3A : i32
    %add3A = arith.addi %mul3A_0, %arg1 : i32
    %mul3A_1 = arith.constant 128 : i32
    %mul3A_2 = arith.muli %add3A, %mul3A_1 : i32
    %multiple_of3A = tpu.assume_multiple %mul3A_2, 128 : i32
    %dma_start3A = arith.constant 0 : i32
    %dma_start3A_3 = tpu.memref_slice %arg2[%dma_start3A, %multiple_of3A] : memref<64x16384xf32, #tpu.memory_space<hbm>> -> memref<64x128xf32, #tpu.memory_space<hbm>>
    %dma_start3A_4 = arith.constant 0 : i32
    %dma_start3A_5 = tpu.memref_slice %arg2[%dma_start3A_4, %multiple_of3A] : memref<64x16384xf32, #tpu.memory_space<hbm>> -> memref<64x128xf32, #tpu.memory_space<hbm>>
    tpu.enqueue_dma source(%dma_start3A_5 : memref<64x128xf32, #tpu.memory_space<hbm>>) target(%arg8 : memref<64x128xf32, #tpu.memory_space<vmem>>) target_semaphore(%arg15 : memref<!tpu.dma_semaphore, #tpu.memory_space<semaphore_mem>>)
    %dma_start3A_6 = arith.constant 0 : i32
    %dma_start3A_7 = tpu.memref_slice %arg3[%dma_start3A_6, %multiple_of3A] : memref<64x16384xf32, #tpu.memory_space<hbm>> -> memref<64x128xf32, #tpu.memory_space<hbm>>
    %dma_start3A_8 = arith.constant 0 : i32
    %dma_start3A_9 = tpu.memref_slice %arg3[%dma_start3A_8, %multiple_of3A] : memref<64x16384xf32, #tpu.memory_space<hbm>> -> memref<64x128xf32, #tpu.memory_space<hbm>>
    tpu.enqueue_dma source(%dma_start3A_9 : memref<64x128xf32, #tpu.memory_space<hbm>>) target(%arg9 : memref<64x128xf32, #tpu.memory_space<vmem>>) target_semaphore(%arg16 : memref<!tpu.dma_semaphore, #tpu.memory_space<semaphore_mem>>)
    %iota3A = tpu.iota {dimensions = array<i32: 0>} : vector<16xi32>
    %mul3A_10 = arith.constant 64 : i32
    %mul3A_11 = vector.broadcast %mul3A_10 : i32 to vector<16xi32>
    %mul3A_12 = arith.muli %iota3A, %mul3A_11 : vector<16xi32>
    %broadcast_in_dim3A = arith.constant 1 : i32
    %broadcast_in_dim3A_13 = vector.broadcast %broadcast_in_dim3A : i32 to vector<16xi32>
    %broadcast_in_dim3A_14 = arith.constant 0.000000e+00 : f32
    %broadcast_in_dim3A_15 = vector.broadcast %broadcast_in_dim3A_14 : f32 to vector<16xf32>
    "tpu.region"() ({
      %run_scoped3A = tpu.sem_alloc : memref<!tpu.dma_semaphore, #tpu.memory_space<semaphore_mem>>
      tpu.enqueue_dma source(%arg4 : memref<17xi32, #tpu.memory_space<hbm>>) target(%arg12 : memref<17xi32, #tpu.memory_space<vmem>>) target_semaphore(%run_scoped3A : memref<!tpu.dma_semaphore, #tpu.memory_space<semaphore_mem>>)
      tpu.wait_dma2 semaphore(%run_scoped3A : memref<!tpu.dma_semaphore, #tpu.memory_space<semaphore_mem>>) src(%arg4 : memref<17xi32, #tpu.memory_space<hbm>>) dst(%arg12 : memref<17xi32, #tpu.memory_space<vmem>>)
      tpu.yield
    }) : () -> ()
    %gather3A = tpu.vector_load_idx %arg12[%iota3A] : memref<17xi32, #tpu.memory_space<vmem>>[vector<16xi32>], vector<16xi32>,
    %add3A_16 = arith.constant 1 : i32
    %add3A_17 = vector.broadcast %add3A_16 : i32 to vector<16xi32>
    %add3A_18 = arith.addi %iota3A, %add3A_17 : vector<16xi32>
    %gather3A_19 = tpu.vector_load_idx %arg12[%add3A_18] : memref<17xi32, #tpu.memory_space<vmem>>[vector<16xi32>], vector<16xi32>,
    %sub3A = vector.broadcast %mul3A_2 : i32 to vector<16xi32>
    %sub3A_20 = arith.subi %gather3A, %sub3A : vector<16xi32>
    %jit3A = arith.constant 0 : i32
    %jit3A_21 = arith.constant 128 : i32
    %max3A = vector.broadcast %jit3A : i32 to vector<16xi32>
    %max3A_22 = arith.maxsi %max3A, %sub3A_20 : vector<16xi32>
    %min3A = vector.broadcast %jit3A_21 : i32 to vector<16xi32>
    %min3A_23 = arith.minsi %min3A, %max3A_22 : vector<16xi32>
    %swap3A = arith.constant 0 : index
    %swap3A_24 = tpu.vector_load %arg13[%swap3A] {strides = array<i32>} : memref<16xi32, #tpu.memory_space<vmem>>, vector<16xi32>,
    tpu.vector_store %arg13[%swap3A], %min3A_23 {strides = array<i32>} : memref<16xi32, #tpu.memory_space<vmem>>, vector<16xi32>,
    %sub3A_25 = vector.broadcast %mul3A_2 : i32 to vector<16xi32>
    %sub3A_26 = arith.subi %gather3A_19, %sub3A_25 : vector<16xi32>
    %jit3A_27 = arith.constant 0 : i32
    %jit3A_28 = arith.constant 128 : i32
    %max3A_29 = vector.broadcast %jit3A_27 : i32 to vector<16xi32>
    %max3A_30 = arith.maxsi %max3A_29, %sub3A_26 : vector<16xi32>
    %min3A_31 = vector.broadcast %jit3A_28 : i32 to vector<16xi32>
    %min3A_32 = arith.minsi %min3A_31, %max3A_30 : vector<16xi32>
    %swap3A_33 = arith.constant 0 : index
    %swap3A_34 = tpu.vector_load %arg14[%swap3A_33] {strides = array<i32>} : memref<16xi32, #tpu.memory_space<vmem>>, vector<16xi32>,
    tpu.vector_store %arg14[%swap3A_33], %min3A_32 {strides = array<i32>} : memref<16xi32, #tpu.memory_space<vmem>>, vector<16xi32>,
    %scan3A = arith.constant 0 : i32
    %scan3A_35 = arith.constant 0 : i32
    %scan3A_36 = arith.constant 16 : i32
    %scan3A_37 = arith.addi %scan3A_35, %scan3A_36 : i32
    %scan3A_38 = arith.constant 1 : i32
    scf.for %scan3A_90 = %scan3A_35 to %scan3A_37 step %scan3A_38  : i32 {
      %swap3A_91 = arith.index_cast %scan3A_90 : i32 to index
      %swap3A_92 = arith.constant 0 : index
      %swap3A_93 = tpu.vector_load %arg10[%swap3A_91, %swap3A_92] {strides = array<i32>} : memref<16x64xf32, #tpu.memory_space<vmem>>, vector<16xf32>,
      tpu.vector_store %arg10[%swap3A_91, %swap3A_92], %broadcast_in_dim3A_15 {strides = array<i32>} : memref<16x64xf32, #tpu.memory_space<vmem>>, vector<16xf32>,
      %swap3A_94 = arith.index_cast %scan3A_90 : i32 to index
      %swap3A_95 = arith.constant 16 : index
      %swap3A_96 = tpu.vector_load %arg10[%swap3A_94, %swap3A_95] {strides = array<i32>} : memref<16x64xf32, #tpu.memory_space<vmem>>, vector<16xf32>,
      tpu.vector_store %arg10[%swap3A_94, %swap3A_95], %broadcast_in_dim3A_15 {strides = array<i32>} : memref<16x64xf32, #tpu.memory_space<vmem>>, vector<16xf32>,
      %swap3A_97 = arith.index_cast %scan3A_90 : i32 to index
      %swap3A_98 = arith.constant 32 : index
      %swap3A_99 = tpu.vector_load %arg10[%swap3A_97, %swap3A_98] {strides = array<i32>} : memref<16x64xf32, #tpu.memory_space<vmem>>, vector<16xf32>,
      tpu.vector_store %arg10[%swap3A_97, %swap3A_98], %broadcast_in_dim3A_15 {strides = array<i32>} : memref<16x64xf32, #tpu.memory_space<vmem>>, vector<16xf32>,
      %swap3A_100 = arith.index_cast %scan3A_90 : i32 to index
      %swap3A_101 = arith.constant 48 : index
      %swap3A_102 = tpu.vector_load %arg10[%swap3A_100, %swap3A_101] {strides = array<i32>} : memref<16x64xf32, #tpu.memory_space<vmem>>, vector<16xf32>,
      tpu.vector_store %arg10[%swap3A_100, %swap3A_101], %broadcast_in_dim3A_15 {strides = array<i32>} : memref<16x64xf32, #tpu.memory_space<vmem>>, vector<16xf32>,
    }
    %scan3A_39 = arith.constant 16 : i32
    %dma_wait3A = arith.constant 0 : i32
    %dma_wait3A_40 = tpu.memref_slice %arg2[%dma_wait3A, %multiple_of3A] : memref<64x16384xf32, #tpu.memory_space<hbm>> -> memref<64x128xf32, #tpu.memory_space<hbm>>
    %dma_wait3A_41 = arith.constant 0 : i32
    %dma_wait3A_42 = tpu.memref_slice %arg2[%dma_wait3A_41, %multiple_of3A] : memref<64x16384xf32, #tpu.memory_space<hbm>> -> memref<64x128xf32, #tpu.memory_space<hbm>>
    tpu.wait_dma2 semaphore(%arg15 : memref<!tpu.dma_semaphore, #tpu.memory_space<semaphore_mem>>) src(%dma_wait3A_42 : memref<64x128xf32, #tpu.memory_space<hbm>>) dst(%arg8 : memref<64x128xf32, #tpu.memory_space<vmem>>)
    %scan3A_43 = arith.constant 0 : i32
    %scan3A_44 = arith.constant 0 : i32
    %scan3A_45 = arith.constant 16 : i32
    %scan3A_46 = arith.addi %scan3A_44, %scan3A_45 : i32
    %scan3A_47 = arith.constant 1 : i32
    scf.for %scan3A_90 = %scan3A_44 to %scan3A_46 step %scan3A_47  : i32 {
      %mul3A_91 = vector.broadcast %scan3A_90 : i32 to vector<16xi32>
      %mul3A_92 = arith.muli %broadcast_in_dim3A_13, %mul3A_91 : vector<16xi32>
      %gather3A_93 = tpu.vector_load_idx %arg13[%mul3A_92] : memref<16xi32, #tpu.memory_space<vmem>>[vector<16xi32>], vector<16xi32>,
      %slice3A = vector.extract_strided_slice %gather3A_93 {offsets = [0], sizes = [1], strides = [1]} : vector<16xi32> to vector<1xi32>
      %squeeze3A = vector.extract %slice3A[0] : i32 from vector<1xi32>
      %mul3A_94 = vector.broadcast %scan3A_90 : i32 to vector<16xi32>
      %mul3A_95 = arith.muli %broadcast_in_dim3A_13, %mul3A_94 : vector<16xi32>
      %gather3A_96 = tpu.vector_load_idx %arg14[%mul3A_95] : memref<16xi32, #tpu.memory_space<vmem>>[vector<16xi32>], vector<16xi32>,
      %slice3A_97 = vector.extract_strided_slice %gather3A_96 {offsets = [0], sizes = [1], strides = [1]} : vector<16xi32> to vector<1xi32>
      %squeeze3A_98 = vector.extract %slice3A_97[0] : i32 from vector<1xi32>
      %gt3A = arith.cmpi sgt, %squeeze3A_98, %squeeze3A : i32
      %convert_element_type3A = arith.extui %gt3A : i1 to i32
      %cond3A = arith.constant 0 : i32
      %cond3A_99 = arith.cmpi ne, %convert_element_type3A, %cond3A : i32
      scf.if %cond3A_99 {
        %add3A_100 = arith.constant 15 : i32
        %add3A_101 = arith.addi %squeeze3A, %add3A_100 : i32
        %shift_right_logical3A = arith.constant 4 : i32
        %shift_right_logical3A_102 = arith.shrui %add3A_101, %shift_right_logical3A : i32
        %shift_right_logical3A_103 = arith.constant 4 : i32
        %shift_right_logical3A_104 = arith.shrui %squeeze3A_98, %shift_right_logical3A_103 : i32
        %shift_right_logical3A_105 = arith.constant 4 : i32
        %shift_right_logical3A_106 = arith.shrui %squeeze3A, %shift_right_logical3A_105 : i32
        %mul3A_107 = arith.constant 16 : i32
        %mul3A_108 = arith.muli %shift_right_logical3A_106, %mul3A_107 : i32
        %mul3A_109 = arith.constant 16 : i32
        %mul3A_110 = arith.muli %shift_right_logical3A_104, %mul3A_109 : i32
        %min3A_111 = arith.constant 112 : i32
        %min3A_112 = arith.minsi %mul3A_110, %min3A_111 : i32
        %add3A_113 = vector.broadcast %mul3A_108 : i32 to vector<16xi32>
        %add3A_114 = arith.addi %add3A_113, %iota3A : vector<16xi32>
        %add3A_115 = vector.broadcast %mul3A_110 : i32 to vector<16xi32>
        %add3A_116 = arith.addi %add3A_115, %iota3A : vector<16xi32>
        %ge3A = vector.broadcast %squeeze3A : i32 to vector<16xi32>
        %ge3A_117 = arith.cmpi sge, %add3A_114, %ge3A : vector<16xi32>
        %lt3A = vector.broadcast %squeeze3A_98 : i32 to vector<16xi32>
        %lt3A_118 = arith.cmpi slt, %add3A_114, %lt3A : vector<16xi32>
        %and3A = arith.andi %ge3A_117, %lt3A_118 : vector<16xi1>
        %mul3A_119 = arith.constant 16 : i32
        %mul3A_120 = arith.muli %shift_right_logical3A_102, %mul3A_119 : i32
        %lt3A_121 = vector.broadcast %mul3A_120 : i32 to vector<16xi32>
        %lt3A_122 = arith.cmpi slt, %add3A_114, %lt3A_121 : vector<16xi32>
        %ge3A_123 = vector.broadcast %mul3A_110 : i32 to vector<16xi32>
        %ge3A_124 = arith.cmpi sge, %add3A_114, %ge3A_123 : vector<16xi32>
        %or3A = arith.ori %lt3A_122, %ge3A_124 : vector<16xi1>
        %and3A_125 = arith.andi %and3A, %or3A : vector<16xi1>
        %ge3A_126 = vector.broadcast %squeeze3A : i32 to vector<16xi32>
        %ge3A_127 = arith.cmpi sge, %add3A_116, %ge3A_126 : vector<16xi32>
        %lt3A_128 = vector.broadcast %squeeze3A_98 : i32 to vector<16xi32>
        %lt3A_129 = arith.cmpi slt, %add3A_116, %lt3A_128 : vector<16xi32>
        %and3A_130 = arith.andi %ge3A_127, %lt3A_129 : vector<16xi1>
        %ne3A = arith.cmpi ne, %shift_right_logical3A_104, %shift_right_logical3A_106 : i32
        %and3A_131 = vector.broadcast %ne3A : i1 to vector<16xi1>
        %and3A_132 = arith.andi %and3A_130, %and3A_131 : vector<16xi1>
        %scan3A_133 = arith.constant 0 : i32
        %scan3A_134 = arith.constant 0 : i32
        %scan3A_135 = arith.constant 8 : i32
        %scan3A_136 = arith.addi %scan3A_134, %scan3A_135 : i32
        %scan3A_137 = arith.constant 1 : i32
        scf.for %scan3A_157 = %scan3A_134 to %scan3A_136 step %scan3A_137  : i32 {
          %mul3A_158 = arith.constant 8 : i32
          %mul3A_159 = arith.muli %scan3A_157, %mul3A_158 : i32
          %while3A = arith.subi %shift_right_logical3A_104, %shift_right_logical3A_102 : i32
          %while3A_160 = arith.addi %shift_right_logical3A_102, %while3A : i32
          %while3A_161 = arith.constant 1 : i32
          %while3A_162 = arith.divsi %while3A, %while3A_161 : i32
          %while3A_163 = arith.muli %while3A_162, %while3A_161 : i32
          %while3A_164 = arith.addi %shift_right_logical3A_102, %while3A_163 : i32
          %while3A_165 = arith.constant 1 : i32
          %while3A_166:8 = scf.for %while3A_343 = %shift_right_logical3A_102 to %while3A_164 step %while3A_165 iter_args(%while3A_344 = %broadcast_in_dim3A_15, %while3A_345 = %broadcast_in_dim3A_15, %while3A_346 = %broadcast_in_dim3A_15, %while3A_347 = %broadcast_in_dim3A_15, %while3A_348 = %broadcast_in_dim3A_15, %while3A_349 = %broadcast_in_dim3A_15, %while3A_350 = %broadcast_in_dim3A_15, %while3A_351 = %broadcast_in_dim3A_15) -> (vector<16xf32>, vector<16xf32>, vector<16xf32>, vector<16xf32>, vector<16xf32>, vector<16xf32>, vector<16xf32>, vector<16xf32>)  : i32 {
            %mul3A_352 = arith.constant 16 : i32
            %mul3A_353 = arith.muli %while3A_343, %mul3A_352 : i32
            %add3A_354 = arith.constant 0 : i32
            %add3A_355 = arith.addi %mul3A_159, %add3A_354 : i32
            %get3A_356 = arith.index_cast %add3A_355 : i32 to index
            %get3A_357 = arith.index_cast %mul3A_353 : i32 to index
            %get3A_358 = tpu.vector_load %arg8[%get3A_356, %get3A_357] {strides = array<i32>} : memref<64x128xf32, #tpu.memory_space<vmem>>, vector<16xf32>,
            %add3A_359 = arith.addf %while3A_344, %get3A_358 : vector<16xf32>
            %add3A_360 = arith.constant 1 : i32
            %add3A_361 = arith.addi %mul3A_159, %add3A_360 : i32
            %get3A_362 = arith.index_cast %add3A_361 : i32 to index
            %get3A_363 = arith.index_cast %mul3A_353 : i32 to index
            %get3A_364 = tpu.vector_load %arg8[%get3A_362, %get3A_363] {strides = array<i32>} : memref<64x128xf32, #tpu.memory_space<vmem>>, vector<16xf32>,
            %add3A_365 = arith.addf %while3A_345, %get3A_364 : vector<16xf32>
            %add3A_366 = arith.constant 2 : i32
            %add3A_367 = arith.addi %mul3A_159, %add3A_366 : i32
            %get3A_368 = arith.index_cast %add3A_367 : i32 to index
            %get3A_369 = arith.index_cast %mul3A_353 : i32 to index
            %get3A_370 = tpu.vector_load %arg8[%get3A_368, %get3A_369] {strides = array<i32>} : memref<64x128xf32, #tpu.memory_space<vmem>>, vector<16xf32>,
            %add3A_371 = arith.addf %while3A_346, %get3A_370 : vector<16xf32>
            %add3A_372 = arith.constant 3 : i32
            %add3A_373 = arith.addi %mul3A_159, %add3A_372 : i32
            %get3A_374 = arith.index_cast %add3A_373 : i32 to index
            %get3A_375 = arith.index_cast %mul3A_353 : i32 to index
            %get3A_376 = tpu.vector_load %arg8[%get3A_374, %get3A_375] {strides = array<i32>} : memref<64x128xf32, #tpu.memory_space<vmem>>, vector<16xf32>,
            %add3A_377 = arith.addf %while3A_347, %get3A_376 : vector<16xf32>
            %add3A_378 = arith.constant 4 : i32
            %add3A_379 = arith.addi %mul3A_159, %add3A_378 : i32
            %get3A_380 = arith.index_cast %add3A_379 : i32 to index
            %get3A_381 = arith.index_cast %mul3A_353 : i32 to index
            %get3A_382 = tpu.vector_load %arg8[%get3A_380, %get3A_381] {strides = array<i32>} : memref<64x128xf32, #tpu.memory_space<vmem>>, vector<16xf32>,
            %add3A_383 = arith.addf %while3A_348, %get3A_382 : vector<16xf32>
            %add3A_384 = arith.constant 5 : i32
            %add3A_385 = arith.addi %mul3A_159, %add3A_384 : i32
            %get3A_386 = arith.index_cast %add3A_385 : i32 to index
            %get3A_387 = arith.index_cast %mul3A_353 : i32 to index
            %get3A_388 = tpu.vector_load %arg8[%get3A_386, %get3A_387] {strides = array<i32>} : memref<64x128xf32, #tpu.memory_space<vmem>>, vector<16xf32>,
            %add3A_389 = arith.addf %while3A_349, %get3A_388 : vector<16xf32>
            %add3A_390 = arith.constant 6 : i32
            %add3A_391 = arith.addi %mul3A_159, %add3A_390 : i32
            %get3A_392 = arith.index_cast %add3A_391 : i32 to index
            %get3A_393 = arith.index_cast %mul3A_353 : i32 to index
            %get3A_394 = tpu.vector_load %arg8[%get3A_392, %get3A_393] {strides = array<i32>} : memref<64x128xf32, #tpu.memory_space<vmem>>, vector<16xf32>,
            %add3A_395 = arith.addf %while3A_350, %get3A_394 : vector<16xf32>
            %add3A_396 = arith.constant 7 : i32
            %add3A_397 = arith.addi %mul3A_159, %add3A_396 : i32
            %get3A_398 = arith.index_cast %add3A_397 : i32 to index
            %get3A_399 = arith.index_cast %mul3A_353 : i32 to index
            %get3A_400 = tpu.vector_load %arg8[%get3A_398, %get3A_399] {strides = array<i32>} : memref<64x128xf32, #tpu.memory_space<vmem>>, vector<16xf32>,
            %add3A_401 = arith.addf %while3A_351, %get3A_400 : vector<16xf32>
            scf.yield %add3A_359, %add3A_365, %add3A_371, %add3A_377, %add3A_383, %add3A_389, %add3A_395, %add3A_401 : vector<16xf32>, vector<16xf32>, vector<16xf32>, vector<16xf32>, vector<16xf32>, vector<16xf32>, vector<16xf32>, vector<16xf32>
          }
          %while3A_167 = arith.constant 1 : i32
          %while3A_168:8 = scf.for %while3A_343 = %while3A_164 to %while3A_160 step %while3A_167 iter_args(%while3A_344 = %while3A_166#0, %while3A_345 = %while3A_166#1, %while3A_346 = %while3A_166#2, %while3A_347 = %while3A_166#3, %while3A_348 = %while3A_166#4, %while3A_349 = %while3A_166#5, %while3A_350 = %while3A_166#6, %while3A_351 = %while3A_166#7) -> (vector<16xf32>, vector<16xf32>, vector<16xf32>, vector<16xf32>, vector<16xf32>, vector<16xf32>, vector<16xf32>, vector<16xf32>)  : i32 {
            %mul3A_352 = arith.constant 16 : i32
            %mul3A_353 = arith.muli %while3A_343, %mul3A_352 : i32
            %add3A_354 = arith.constant 0 : i32
            %add3A_355 = arith.addi %mul3A_159, %add3A_354 : i32
            %get3A_356 = arith.index_cast %add3A_355 : i32 to index
            %get3A_357 = arith.index_cast %mul3A_353 : i32 to index
            %get3A_358 = tpu.vector_load %arg8[%get3A_356, %get3A_357] {strides = array<i32>} : memref<64x128xf32, #tpu.memory_space<vmem>>, vector<16xf32>,
            %add3A_359 = arith.addf %while3A_344, %get3A_358 : vector<16xf32>
            %add3A_360 = arith.constant 1 : i32
            %add3A_361 = arith.addi %mul3A_159, %add3A_360 : i32
            %get3A_362 = arith.index_cast %add3A_361 : i32 to index
            %get3A_363 = arith.index_cast %mul3A_353 : i32 to index
            %get3A_364 = tpu.vector_load %arg8[%get3A_362, %get3A_363] {strides = array<i32>} : memref<64x128xf32, #tpu.memory_space<vmem>>, vector<16xf32>,
            %add3A_365 = arith.addf %while3A_345, %get3A_364 : vector<16xf32>
            %add3A_366 = arith.constant 2 : i32
            %add3A_367 = arith.addi %mul3A_159, %add3A_366 : i32
            %get3A_368 = arith.index_cast %add3A_367 : i32 to index
            %get3A_369 = arith.index_cast %mul3A_353 : i32 to index
            %get3A_370 = tpu.vector_load %arg8[%get3A_368, %get3A_369] {strides = array<i32>} : memref<64x128xf32, #tpu.memory_space<vmem>>, vector<16xf32>,
            %add3A_371 = arith.addf %while3A_346, %get3A_370 : vector<16xf32>
            %add3A_372 = arith.constant 3 : i32
            %add3A_373 = arith.addi %mul3A_159, %add3A_372 : i32
            %get3A_374 = arith.index_cast %add3A_373 : i32 to index
            %get3A_375 = arith.index_cast %mul3A_353 : i32 to index
            %get3A_376 = tpu.vector_load %arg8[%get3A_374, %get3A_375] {strides = array<i32>} : memref<64x128xf32, #tpu.memory_space<vmem>>, vector<16xf32>,
            %add3A_377 = arith.addf %while3A_347, %get3A_376 : vector<16xf32>
            %add3A_378 = arith.constant 4 : i32
            %add3A_379 = arith.addi %mul3A_159, %add3A_378 : i32
            %get3A_380 = arith.index_cast %add3A_379 : i32 to index
            %get3A_381 = arith.index_cast %mul3A_353 : i32 to index
            %get3A_382 = tpu.vector_load %arg8[%get3A_380, %get3A_381] {strides = array<i32>} : memref<64x128xf32, #tpu.memory_space<vmem>>, vector<16xf32>,
            %add3A_383 = arith.addf %while3A_348, %get3A_382 : vector<16xf32>
            %add3A_384 = arith.constant 5 : i32
            %add3A_385 = arith.addi %mul3A_159, %add3A_384 : i32
            %get3A_386 = arith.index_cast %add3A_385 : i32 to index
            %get3A_387 = arith.index_cast %mul3A_353 : i32 to index
            %get3A_388 = tpu.vector_load %arg8[%get3A_386, %get3A_387] {strides = array<i32>} : memref<64x128xf32, #tpu.memory_space<vmem>>, vector<16xf32>,
            %add3A_389 = arith.addf %while3A_349, %get3A_388 : vector<16xf32>
            %add3A_390 = arith.constant 6 : i32
            %add3A_391 = arith.addi %mul3A_159, %add3A_390 : i32
            %get3A_392 = arith.index_cast %add3A_391 : i32 to index
            %get3A_393 = arith.index_cast %mul3A_353 : i32 to index
            %get3A_394 = tpu.vector_load %arg8[%get3A_392, %get3A_393] {strides = array<i32>} : memref<64x128xf32, #tpu.memory_space<vmem>>, vector<16xf32>,
            %add3A_395 = arith.addf %while3A_350, %get3A_394 : vector<16xf32>
            %add3A_396 = arith.constant 7 : i32
            %add3A_397 = arith.addi %mul3A_159, %add3A_396 : i32
            %get3A_398 = arith.index_cast %add3A_397 : i32 to index
            %get3A_399 = arith.index_cast %mul3A_353 : i32 to index
            %get3A_400 = tpu.vector_load %arg8[%get3A_398, %get3A_399] {strides = array<i32>} : memref<64x128xf32, #tpu.memory_space<vmem>>, vector<16xf32>,
            %add3A_401 = arith.addf %while3A_351, %get3A_400 : vector<16xf32>
            scf.yield %add3A_359, %add3A_365, %add3A_371, %add3A_377, %add3A_383, %add3A_389, %add3A_395, %add3A_401 : vector<16xf32>, vector<16xf32>, vector<16xf32>, vector<16xf32>, vector<16xf32>, vector<16xf32>, vector<16xf32>, vector<16xf32>
          }
          %add3A_169 = arith.constant 0 : i32
          %add3A_170 = arith.addi %mul3A_159, %add3A_169 : i32
          %get3A = arith.index_cast %add3A_170 : i32 to index
          %get3A_171 = arith.index_cast %mul3A_108 : i32 to index
          %get3A_172 = tpu.vector_load %arg8[%get3A, %get3A_171] {strides = array<i32>} : memref<64x128xf32, #tpu.memory_space<vmem>>, vector<16xf32>,
          %jit3A_173 = arith.constant 0.000000e+00 : f32
          %broadcast_in_dim3A_174 = vector.broadcast %jit3A_173 : f32 to vector<16xf32>
          %select_n3A = arith.select %and3A_125, %get3A_172, %broadcast_in_dim3A_174 : vector<16xi1>, vector<16xf32>
          %add3A_175 = arith.addf %while3A_168#0, %select_n3A : vector<16xf32>
          %add3A_176 = arith.constant 0 : i32
          %add3A_177 = arith.addi %mul3A_159, %add3A_176 : i32
          %get3A_178 = arith.index_cast %add3A_177 : i32 to index
          %get3A_179 = arith.index_cast %min3A_112 : i32 to index
          %get3A_180 = tpu.vector_load %arg8[%get3A_178, %get3A_179] {strides = array<i32>} : memref<64x128xf32, #tpu.memory_space<vmem>>, vector<16xf32>,
          %jit3A_181 = arith.constant 0.000000e+00 : f32
          %broadcast_in_dim3A_182 = vector.broadcast %jit3A_181 : f32 to vector<16xf32>
          %select_n3A_183 = arith.select %and3A_132, %get3A_180, %broadcast_in_dim3A_182 : vector<16xi1>, vector<16xf32>
          %add3A_184 = arith.addf %add3A_175, %select_n3A_183 : vector<16xf32>
          %add3A_185 = arith.constant 1 : i32
          %add3A_186 = arith.addi %mul3A_159, %add3A_185 : i32
          %get3A_187 = arith.index_cast %add3A_186 : i32 to index
          %get3A_188 = arith.index_cast %mul3A_108 : i32 to index
          %get3A_189 = tpu.vector_load %arg8[%get3A_187, %get3A_188] {strides = array<i32>} : memref<64x128xf32, #tpu.memory_space<vmem>>, vector<16xf32>,
          %jit3A_190 = arith.constant 0.000000e+00 : f32
          %broadcast_in_dim3A_191 = vector.broadcast %jit3A_190 : f32 to vector<16xf32>
          %select_n3A_192 = arith.select %and3A_125, %get3A_189, %broadcast_in_dim3A_191 : vector<16xi1>, vector<16xf32>
          %add3A_193 = arith.addf %while3A_168#1, %select_n3A_192 : vector<16xf32>
          %add3A_194 = arith.constant 1 : i32
          %add3A_195 = arith.addi %mul3A_159, %add3A_194 : i32
          %get3A_196 = arith.index_cast %add3A_195 : i32 to index
          %get3A_197 = arith.index_cast %min3A_112 : i32 to index
          %get3A_198 = tpu.vector_load %arg8[%get3A_196, %get3A_197] {strides = array<i32>} : memref<64x128xf32, #tpu.memory_space<vmem>>, vector<16xf32>,
          %jit3A_199 = arith.constant 0.000000e+00 : f32
          %broadcast_in_dim3A_200 = vector.broadcast %jit3A_199 : f32 to vector<16xf32>
          %select_n3A_201 = arith.select %and3A_132, %get3A_198, %broadcast_in_dim3A_200 : vector<16xi1>, vector<16xf32>
          %add3A_202 = arith.addf %add3A_193, %select_n3A_201 : vector<16xf32>
          %add3A_203 = arith.constant 2 : i32
          %add3A_204 = arith.addi %mul3A_159, %add3A_203 : i32
          %get3A_205 = arith.index_cast %add3A_204 : i32 to index
          %get3A_206 = arith.index_cast %mul3A_108 : i32 to index
          %get3A_207 = tpu.vector_load %arg8[%get3A_205, %get3A_206] {strides = array<i32>} : memref<64x128xf32, #tpu.memory_space<vmem>>, vector<16xf32>,
          %jit3A_208 = arith.constant 0.000000e+00 : f32
          %broadcast_in_dim3A_209 = vector.broadcast %jit3A_208 : f32 to vector<16xf32>
          %select_n3A_210 = arith.select %and3A_125, %get3A_207, %broadcast_in_dim3A_209 : vector<16xi1>, vector<16xf32>
          %add3A_211 = arith.addf %while3A_168#2, %select_n3A_210 : vector<16xf32>
          %add3A_212 = arith.constant 2 : i32
          %add3A_213 = arith.addi %mul3A_159, %add3A_212 : i32
          %get3A_214 = arith.index_cast %add3A_213 : i32 to index
          %get3A_215 = arith.index_cast %min3A_112 : i32 to index
          %get3A_216 = tpu.vector_load %arg8[%get3A_214, %get3A_215] {strides = array<i32>} : memref<64x128xf32, #tpu.memory_space<vmem>>, vector<16xf32>,
          %jit3A_217 = arith.constant 0.000000e+00 : f32
          %broadcast_in_dim3A_218 = vector.broadcast %jit3A_217 : f32 to vector<16xf32>
          %select_n3A_219 = arith.select %and3A_132, %get3A_216, %broadcast_in_dim3A_218 : vector<16xi1>, vector<16xf32>
          %add3A_220 = arith.addf %add3A_211, %select_n3A_219 : vector<16xf32>
          %add3A_221 = arith.constant 3 : i32
          %add3A_222 = arith.addi %mul3A_159, %add3A_221 : i32
          %get3A_223 = arith.index_cast %add3A_222 : i32 to index
          %get3A_224 = arith.index_cast %mul3A_108 : i32 to index
          %get3A_225 = tpu.vector_load %arg8[%get3A_223, %get3A_224] {strides = array<i32>} : memref<64x128xf32, #tpu.memory_space<vmem>>, vector<16xf32>,
          %jit3A_226 = arith.constant 0.000000e+00 : f32
          %broadcast_in_dim3A_227 = vector.broadcast %jit3A_226 : f32 to vector<16xf32>
          %select_n3A_228 = arith.select %and3A_125, %get3A_225, %broadcast_in_dim3A_227 : vector<16xi1>, vector<16xf32>
          %add3A_229 = arith.addf %while3A_168#3, %select_n3A_228 : vector<16xf32>
          %add3A_230 = arith.constant 3 : i32
          %add3A_231 = arith.addi %mul3A_159, %add3A_230 : i32
          %get3A_232 = arith.index_cast %add3A_231 : i32 to index
          %get3A_233 = arith.index_cast %min3A_112 : i32 to index
          %get3A_234 = tpu.vector_load %arg8[%get3A_232, %get3A_233] {strides = array<i32>} : memref<64x128xf32, #tpu.memory_space<vmem>>, vector<16xf32>,
          %jit3A_235 = arith.constant 0.000000e+00 : f32
          %broadcast_in_dim3A_236 = vector.broadcast %jit3A_235 : f32 to vector<16xf32>
          %select_n3A_237 = arith.select %and3A_132, %get3A_234, %broadcast_in_dim3A_236 : vector<16xi1>, vector<16xf32>
          %add3A_238 = arith.addf %add3A_229, %select_n3A_237 : vector<16xf32>
          %add3A_239 = arith.constant 4 : i32
          %add3A_240 = arith.addi %mul3A_159, %add3A_239 : i32
          %get3A_241 = arith.index_cast %add3A_240 : i32 to index
          %get3A_242 = arith.index_cast %mul3A_108 : i32 to index
          %get3A_243 = tpu.vector_load %arg8[%get3A_241, %get3A_242] {strides = array<i32>} : memref<64x128xf32, #tpu.memory_space<vmem>>, vector<16xf32>,
          %jit3A_244 = arith.constant 0.000000e+00 : f32
          %broadcast_in_dim3A_245 = vector.broadcast %jit3A_244 : f32 to vector<16xf32>
          %select_n3A_246 = arith.select %and3A_125, %get3A_243, %broadcast_in_dim3A_245 : vector<16xi1>, vector<16xf32>
          %add3A_247 = arith.addf %while3A_168#4, %select_n3A_246 : vector<16xf32>
          %add3A_248 = arith.constant 4 : i32
          %add3A_249 = arith.addi %mul3A_159, %add3A_248 : i32
          %get3A_250 = arith.index_cast %add3A_249 : i32 to index
          %get3A_251 = arith.index_cast %min3A_112 : i32 to index
          %get3A_252 = tpu.vector_load %arg8[%get3A_250, %get3A_251] {strides = array<i32>} : memref<64x128xf32, #tpu.memory_space<vmem>>, vector<16xf32>,
          %jit3A_253 = arith.constant 0.000000e+00 : f32
          %broadcast_in_dim3A_254 = vector.broadcast %jit3A_253 : f32 to vector<16xf32>
          %select_n3A_255 = arith.select %and3A_132, %get3A_252, %broadcast_in_dim3A_254 : vector<16xi1>, vector<16xf32>
          %add3A_256 = arith.addf %add3A_247, %select_n3A_255 : vector<16xf32>
          %add3A_257 = arith.constant 5 : i32
          %add3A_258 = arith.addi %mul3A_159, %add3A_257 : i32
          %get3A_259 = arith.index_cast %add3A_258 : i32 to index
          %get3A_260 = arith.index_cast %mul3A_108 : i32 to index
          %get3A_261 = tpu.vector_load %arg8[%get3A_259, %get3A_260] {strides = array<i32>} : memref<64x128xf32, #tpu.memory_space<vmem>>, vector<16xf32>,
          %jit3A_262 = arith.constant 0.000000e+00 : f32
          %broadcast_in_dim3A_263 = vector.broadcast %jit3A_262 : f32 to vector<16xf32>
          %select_n3A_264 = arith.select %and3A_125, %get3A_261, %broadcast_in_dim3A_263 : vector<16xi1>, vector<16xf32>
          %add3A_265 = arith.addf %while3A_168#5, %select_n3A_264 : vector<16xf32>
          %add3A_266 = arith.constant 5 : i32
          %add3A_267 = arith.addi %mul3A_159, %add3A_266 : i32
          %get3A_268 = arith.index_cast %add3A_267 : i32 to index
          %get3A_269 = arith.index_cast %min3A_112 : i32 to index
          %get3A_270 = tpu.vector_load %arg8[%get3A_268, %get3A_269] {strides = array<i32>} : memref<64x128xf32, #tpu.memory_space<vmem>>, vector<16xf32>,
          %jit3A_271 = arith.constant 0.000000e+00 : f32
          %broadcast_in_dim3A_272 = vector.broadcast %jit3A_271 : f32 to vector<16xf32>
          %select_n3A_273 = arith.select %and3A_132, %get3A_270, %broadcast_in_dim3A_272 : vector<16xi1>, vector<16xf32>
          %add3A_274 = arith.addf %add3A_265, %select_n3A_273 : vector<16xf32>
          %add3A_275 = arith.constant 6 : i32
          %add3A_276 = arith.addi %mul3A_159, %add3A_275 : i32
          %get3A_277 = arith.index_cast %add3A_276 : i32 to index
          %get3A_278 = arith.index_cast %mul3A_108 : i32 to index
          %get3A_279 = tpu.vector_load %arg8[%get3A_277, %get3A_278] {strides = array<i32>} : memref<64x128xf32, #tpu.memory_space<vmem>>, vector<16xf32>,
          %jit3A_280 = arith.constant 0.000000e+00 : f32
          %broadcast_in_dim3A_281 = vector.broadcast %jit3A_280 : f32 to vector<16xf32>
          %select_n3A_282 = arith.select %and3A_125, %get3A_279, %broadcast_in_dim3A_281 : vector<16xi1>, vector<16xf32>
          %add3A_283 = arith.addf %while3A_168#6, %select_n3A_282 : vector<16xf32>
          %add3A_284 = arith.constant 6 : i32
          %add3A_285 = arith.addi %mul3A_159, %add3A_284 : i32
          %get3A_286 = arith.index_cast %add3A_285 : i32 to index
          %get3A_287 = arith.index_cast %min3A_112 : i32 to index
          %get3A_288 = tpu.vector_load %arg8[%get3A_286, %get3A_287] {strides = array<i32>} : memref<64x128xf32, #tpu.memory_space<vmem>>, vector<16xf32>,
          %jit3A_289 = arith.constant 0.000000e+00 : f32
          %broadcast_in_dim3A_290 = vector.broadcast %jit3A_289 : f32 to vector<16xf32>
          %select_n3A_291 = arith.select %and3A_132, %get3A_288, %broadcast_in_dim3A_290 : vector<16xi1>, vector<16xf32>
          %add3A_292 = arith.addf %add3A_283, %select_n3A_291 : vector<16xf32>
          %add3A_293 = arith.constant 7 : i32
          %add3A_294 = arith.addi %mul3A_159, %add3A_293 : i32
          %get3A_295 = arith.index_cast %add3A_294 : i32 to index
          %get3A_296 = arith.index_cast %mul3A_108 : i32 to index
          %get3A_297 = tpu.vector_load %arg8[%get3A_295, %get3A_296] {strides = array<i32>} : memref<64x128xf32, #tpu.memory_space<vmem>>, vector<16xf32>,
          %jit3A_298 = arith.constant 0.000000e+00 : f32
          %broadcast_in_dim3A_299 = vector.broadcast %jit3A_298 : f32 to vector<16xf32>
          %select_n3A_300 = arith.select %and3A_125, %get3A_297, %broadcast_in_dim3A_299 : vector<16xi1>, vector<16xf32>
          %add3A_301 = arith.addf %while3A_168#7, %select_n3A_300 : vector<16xf32>
          %add3A_302 = arith.constant 7 : i32
          %add3A_303 = arith.addi %mul3A_159, %add3A_302 : i32
          %get3A_304 = arith.index_cast %add3A_303 : i32 to index
          %get3A_305 = arith.index_cast %min3A_112 : i32 to index
          %get3A_306 = tpu.vector_load %arg8[%get3A_304, %get3A_305] {strides = array<i32>} : memref<64x128xf32, #tpu.memory_space<vmem>>, vector<16xf32>,
          %jit3A_307 = arith.constant 0.000000e+00 : f32
          %broadcast_in_dim3A_308 = vector.broadcast %jit3A_307 : f32 to vector<16xf32>
          %select_n3A_309 = arith.select %and3A_132, %get3A_306, %broadcast_in_dim3A_308 : vector<16xi1>, vector<16xf32>
          %add3A_310 = arith.addf %add3A_301, %select_n3A_309 : vector<16xf32>
          %add3A_311 = arith.constant 0 : i32
          %add3A_312 = arith.addi %mul3A_159, %add3A_311 : i32
          %add3A_313 = vector.broadcast %add3A_312 : i32 to vector<16xi32>
          %add3A_314 = arith.addi %mul3A_12, %add3A_313 : vector<16xi32>
          tpu.vector_store_idx %arg11[%add3A_314], %add3A_184 : memref<1024xf32, #tpu.memory_space<vmem>>[vector<16xi32>], vector<16xf32>,
          %add3A_315 = arith.constant 1 : i32
          %add3A_316 = arith.addi %mul3A_159, %add3A_315 : i32
          %add3A_317 = vector.broadcast %add3A_316 : i32 to vector<16xi32>
          %add3A_318 = arith.addi %mul3A_12, %add3A_317 : vector<16xi32>
          tpu.vector_store_idx %arg11[%add3A_318], %add3A_202 : memref<1024xf32, #tpu.memory_space<vmem>>[vector<16xi32>], vector<16xf32>,
          %add3A_319 = arith.constant 2 : i32
          %add3A_320 = arith.addi %mul3A_159, %add3A_319 : i32
          %add3A_321 = vector.broadcast %add3A_320 : i32 to vector<16xi32>
          %add3A_322 = arith.addi %mul3A_12, %add3A_321 : vector<16xi32>
          tpu.vector_store_idx %arg11[%add3A_322], %add3A_220 : memref<1024xf32, #tpu.memory_space<vmem>>[vector<16xi32>], vector<16xf32>,
          %add3A_323 = arith.constant 3 : i32
          %add3A_324 = arith.addi %mul3A_159, %add3A_323 : i32
          %add3A_325 = vector.broadcast %add3A_324 : i32 to vector<16xi32>
          %add3A_326 = arith.addi %mul3A_12, %add3A_325 : vector<16xi32>
          tpu.vector_store_idx %arg11[%add3A_326], %add3A_238 : memref<1024xf32, #tpu.memory_space<vmem>>[vector<16xi32>], vector<16xf32>,
          %add3A_327 = arith.constant 4 : i32
          %add3A_328 = arith.addi %mul3A_159, %add3A_327 : i32
          %add3A_329 = vector.broadcast %add3A_328 : i32 to vector<16xi32>
          %add3A_330 = arith.addi %mul3A_12, %add3A_329 : vector<16xi32>
          tpu.vector_store_idx %arg11[%add3A_330], %add3A_256 : memref<1024xf32, #tpu.memory_space<vmem>>[vector<16xi32>], vector<16xf32>,
          %add3A_331 = arith.constant 5 : i32
          %add3A_332 = arith.addi %mul3A_159, %add3A_331 : i32
          %add3A_333 = vector.broadcast %add3A_332 : i32 to vector<16xi32>
          %add3A_334 = arith.addi %mul3A_12, %add3A_333 : vector<16xi32>
          tpu.vector_store_idx %arg11[%add3A_334], %add3A_274 : memref<1024xf32, #tpu.memory_space<vmem>>[vector<16xi32>], vector<16xf32>,
          %add3A_335 = arith.constant 6 : i32
          %add3A_336 = arith.addi %mul3A_159, %add3A_335 : i32
          %add3A_337 = vector.broadcast %add3A_336 : i32 to vector<16xi32>
          %add3A_338 = arith.addi %mul3A_12, %add3A_337 : vector<16xi32>
          tpu.vector_store_idx %arg11[%add3A_338], %add3A_292 : memref<1024xf32, #tpu.memory_space<vmem>>[vector<16xi32>], vector<16xf32>,
          %add3A_339 = arith.constant 7 : i32
          %add3A_340 = arith.addi %mul3A_159, %add3A_339 : i32
          %add3A_341 = vector.broadcast %add3A_340 : i32 to vector<16xi32>
          %add3A_342 = arith.addi %mul3A_12, %add3A_341 : vector<16xi32>
          tpu.vector_store_idx %arg11[%add3A_342], %add3A_310 : memref<1024xf32, #tpu.memory_space<vmem>>[vector<16xi32>], vector<16xf32>,
        }
        %scan3A_138 = arith.constant 8 : i32
        %scan3A_139 = arith.constant 0 : i32
        %scan3A_140 = arith.constant 16 : i32
        %scan3A_141 = arith.addi %scan3A_139, %scan3A_140 : i32
        %scan3A_142 = arith.constant 1 : i32
        %scan3A_143:4 = scf.for %scan3A_157 = %scan3A_139 to %scan3A_141 step %scan3A_142 iter_args(%scan3A_158 = %broadcast_in_dim3A_15, %scan3A_159 = %broadcast_in_dim3A_15, %scan3A_160 = %broadcast_in_dim3A_15, %scan3A_161 = %broadcast_in_dim3A_15) -> (vector<16xf32>, vector<16xf32>, vector<16xf32>, vector<16xf32>)  : i32 {
          %mul3A_162 = arith.constant 64 : i32
          %mul3A_163 = arith.muli %scan3A_157, %mul3A_162 : i32
          %add3A_164 = arith.constant 0 : i32
          %add3A_165 = arith.addi %mul3A_163, %add3A_164 : i32
          %get3A = arith.index_cast %add3A_165 : i32 to index
          %get3A_166 = tpu.vector_load %arg11[%get3A] {strides = array<i32>} : memref<1024xf32, #tpu.memory_space<vmem>>, vector<16xf32>,
          %add3A_167 = arith.addf %scan3A_158, %get3A_166 : vector<16xf32>
          %add3A_168 = arith.constant 16 : i32
          %add3A_169 = arith.addi %mul3A_163, %add3A_168 : i32
          %get3A_170 = arith.index_cast %add3A_169 : i32 to index
          %get3A_171 = tpu.vector_load %arg11[%get3A_170] {strides = array<i32>} : memref<1024xf32, #tpu.memory_space<vmem>>, vector<16xf32>,
          %add3A_172 = arith.addf %scan3A_159, %get3A_171 : vector<16xf32>
          %add3A_173 = arith.constant 32 : i32
          %add3A_174 = arith.addi %mul3A_163, %add3A_173 : i32
          %get3A_175 = arith.index_cast %add3A_174 : i32 to index
          %get3A_176 = tpu.vector_load %arg11[%get3A_175] {strides = array<i32>} : memref<1024xf32, #tpu.memory_space<vmem>>, vector<16xf32>,
          %add3A_177 = arith.addf %scan3A_160, %get3A_176 : vector<16xf32>
          %add3A_178 = arith.constant 48 : i32
          %add3A_179 = arith.addi %mul3A_163, %add3A_178 : i32
          %get3A_180 = arith.index_cast %add3A_179 : i32 to index
          %get3A_181 = tpu.vector_load %arg11[%get3A_180] {strides = array<i32>} : memref<1024xf32, #tpu.memory_space<vmem>>, vector<16xf32>,
          %add3A_182 = arith.addf %scan3A_161, %get3A_181 : vector<16xf32>
          scf.yield %add3A_167, %add3A_172, %add3A_177, %add3A_182 : vector<16xf32>, vector<16xf32>, vector<16xf32>, vector<16xf32>
        }
        %scan3A_144 = arith.constant 16 : i32
        %swap3A_145 = arith.index_cast %scan3A_90 : i32 to index
        %swap3A_146 = arith.constant 0 : index
        %swap3A_147 = tpu.vector_load %arg10[%swap3A_145, %swap3A_146] {strides = array<i32>} : memref<16x64xf32, #tpu.memory_space<vmem>>, vector<16xf32>,
        tpu.vector_store %arg10[%swap3A_145, %swap3A_146], %scan3A_143#0 {strides = array<i32>} : memref<16x64xf32, #tpu.memory_space<vmem>>, vector<16xf32>,
        %swap3A_148 = arith.index_cast %scan3A_90 : i32 to index
        %swap3A_149 = arith.constant 16 : index
        %swap3A_150 = tpu.vector_load %arg10[%swap3A_148, %swap3A_149] {strides = array<i32>} : memref<16x64xf32, #tpu.memory_space<vmem>>, vector<16xf32>,
        tpu.vector_store %arg10[%swap3A_148, %swap3A_149], %scan3A_143#1 {strides = array<i32>} : memref<16x64xf32, #tpu.memory_space<vmem>>, vector<16xf32>,
        %swap3A_151 = arith.index_cast %scan3A_90 : i32 to index
        %swap3A_152 = arith.constant 32 : index
        %swap3A_153 = tpu.vector_load %arg10[%swap3A_151, %swap3A_152] {strides = array<i32>} : memref<16x64xf32, #tpu.memory_space<vmem>>, vector<16xf32>,
        tpu.vector_store %arg10[%swap3A_151, %swap3A_152], %scan3A_143#2 {strides = array<i32>} : memref<16x64xf32, #tpu.memory_space<vmem>>, vector<16xf32>,
        %swap3A_154 = arith.index_cast %scan3A_90 : i32 to index
        %swap3A_155 = arith.constant 48 : index
        %swap3A_156 = tpu.vector_load %arg10[%swap3A_154, %swap3A_155] {strides = array<i32>} : memref<16x64xf32, #tpu.memory_space<vmem>>, vector<16xf32>,
        tpu.vector_store %arg10[%swap3A_154, %swap3A_155], %scan3A_143#3 {strides = array<i32>} : memref<16x64xf32, #tpu.memory_space<vmem>>, vector<16xf32>,
      } else {
      }
    }
    %scan3A_48 = arith.constant 16 : i32
    "tpu.region"() ({
      %run_scoped3A = tpu.sem_alloc : memref<!tpu.dma_semaphore, #tpu.memory_space<semaphore_mem>>
      %dma_start3A_90 = arith.constant 0 : i32
      %dma_start3A_91 = arith.constant 0 : i32
      %dma_start3A_92 = tpu.memref_slice %arg6[%add3A, %dma_start3A_90, %dma_start3A_91] : memref<32x16x64xf32, #tpu.memory_space<hbm>> -> memref<1x16x64xf32, #tpu.memory_space<hbm>>
      %dma_start3A_93 = tpu.memref_squeeze %dma_start3A_92 : memref<1x16x64xf32, #tpu.memory_space<hbm>> -> memref<16x64xf32, #tpu.memory_space<hbm>>
      %dma_start3A_94 = arith.constant 0 : i32
      %dma_start3A_95 = arith.constant 0 : i32
      %dma_start3A_96 = tpu.memref_slice %arg6[%add3A, %dma_start3A_94, %dma_start3A_95] : memref<32x16x64xf32, #tpu.memory_space<hbm>> -> memref<1x16x64xf32, #tpu.memory_space<hbm>>
      %dma_start3A_97 = tpu.memref_squeeze %dma_start3A_96 : memref<1x16x64xf32, #tpu.memory_space<hbm>> -> memref<16x64xf32, #tpu.memory_space<hbm>>
      tpu.enqueue_dma source(%arg10 : memref<16x64xf32, #tpu.memory_space<vmem>>) target(%dma_start3A_97 : memref<16x64xf32, #tpu.memory_space<hbm>>) target_semaphore(%run_scoped3A : memref<!tpu.dma_semaphore, #tpu.memory_space<semaphore_mem>>)
      %dma_wait3A_98 = arith.constant 0 : i32
      %dma_wait3A_99 = arith.constant 0 : i32
      %dma_wait3A_100 = tpu.memref_slice %arg6[%add3A, %dma_wait3A_98, %dma_wait3A_99] : memref<32x16x64xf32, #tpu.memory_space<hbm>> -> memref<1x16x64xf32, #tpu.memory_space<hbm>>
      %dma_wait3A_101 = tpu.memref_squeeze %dma_wait3A_100 : memref<1x16x64xf32, #tpu.memory_space<hbm>> -> memref<16x64xf32, #tpu.memory_space<hbm>>
      %dma_wait3A_102 = arith.constant 0 : i32
      %dma_wait3A_103 = arith.constant 0 : i32
      %dma_wait3A_104 = tpu.memref_slice %arg6[%add3A, %dma_wait3A_102, %dma_wait3A_103] : memref<32x16x64xf32, #tpu.memory_space<hbm>> -> memref<1x16x64xf32, #tpu.memory_space<hbm>>
      %dma_wait3A_105 = tpu.memref_squeeze %dma_wait3A_104 : memref<1x16x64xf32, #tpu.memory_space<hbm>> -> memref<16x64xf32, #tpu.memory_space<hbm>>
      tpu.wait_dma2 semaphore(%run_scoped3A : memref<!tpu.dma_semaphore, #tpu.memory_space<semaphore_mem>>) src(%arg10 : memref<16x64xf32, #tpu.memory_space<vmem>>) dst(%dma_wait3A_105 : memref<16x64xf32, #tpu.memory_space<hbm>>)
      tpu.yield
    }) : () -> ()
    "tpu.region"() ({
      %run_scoped3A = tpu.sem_alloc : memref<!tpu.dma_semaphore, #tpu.memory_space<semaphore_mem>>
      tpu.enqueue_dma source(%arg5 : memref<17xi32, #tpu.memory_space<hbm>>) target(%arg12 : memref<17xi32, #tpu.memory_space<vmem>>) target_semaphore(%run_scoped3A : memref<!tpu.dma_semaphore, #tpu.memory_space<semaphore_mem>>)
      tpu.wait_dma2 semaphore(%run_scoped3A : memref<!tpu.dma_semaphore, #tpu.memory_space<semaphore_mem>>) src(%arg5 : memref<17xi32, #tpu.memory_space<hbm>>) dst(%arg12 : memref<17xi32, #tpu.memory_space<vmem>>)
      tpu.yield
    }) : () -> ()
    %gather3A_49 = tpu.vector_load_idx %arg12[%iota3A] : memref<17xi32, #tpu.memory_space<vmem>>[vector<16xi32>], vector<16xi32>,
    %add3A_50 = arith.constant 1 : i32
    %add3A_51 = vector.broadcast %add3A_50 : i32 to vector<16xi32>
    %add3A_52 = arith.addi %iota3A, %add3A_51 : vector<16xi32>
    %gather3A_53 = tpu.vector_load_idx %arg12[%add3A_52] : memref<17xi32, #tpu.memory_space<vmem>>[vector<16xi32>], vector<16xi32>,
    %sub3A_54 = vector.broadcast %mul3A_2 : i32 to vector<16xi32>
    %sub3A_55 = arith.subi %gather3A_49, %sub3A_54 : vector<16xi32>
    %jit3A_56 = arith.constant 0 : i32
    %jit3A_57 = arith.constant 128 : i32
    %max3A_58 = vector.broadcast %jit3A_56 : i32 to vector<16xi32>
    %max3A_59 = arith.maxsi %max3A_58, %sub3A_55 : vector<16xi32>
    %min3A_60 = vector.broadcast %jit3A_57 : i32 to vector<16xi32>
    %min3A_61 = arith.minsi %min3A_60, %max3A_59 : vector<16xi32>
    %swap3A_62 = arith.constant 0 : index
    %swap3A_63 = tpu.vector_load %arg13[%swap3A_62] {strides = array<i32>} : memref<16xi32, #tpu.memory_space<vmem>>, vector<16xi32>,
    tpu.vector_store %arg13[%swap3A_62], %min3A_61 {strides = array<i32>} : memref<16xi32, #tpu.memory_space<vmem>>, vector<16xi32>,
    %sub3A_64 = vector.broadcast %mul3A_2 : i32 to vector<16xi32>
    %sub3A_65 = arith.subi %gather3A_53, %sub3A_64 : vector<16xi32>
    %jit3A_66 = arith.constant 0 : i32
    %jit3A_67 = arith.constant 128 : i32
    %max3A_68 = vector.broadcast %jit3A_66 : i32 to vector<16xi32>
    %max3A_69 = arith.maxsi %max3A_68, %sub3A_65 : vector<16xi32>
    %min3A_70 = vector.broadcast %jit3A_67 : i32 to vector<16xi32>
    %min3A_71 = arith.minsi %min3A_70, %max3A_69 : vector<16xi32>
    %swap3A_72 = arith.constant 0 : index
    %swap3A_73 = tpu.vector_load %arg14[%swap3A_72] {strides = array<i32>} : memref<16xi32, #tpu.memory_space<vmem>>, vector<16xi32>,
    tpu.vector_store %arg14[%swap3A_72], %min3A_71 {strides = array<i32>} : memref<16xi32, #tpu.memory_space<vmem>>, vector<16xi32>,
    %scan3A_74 = arith.constant 0 : i32
    %scan3A_75 = arith.constant 0 : i32
    %scan3A_76 = arith.constant 16 : i32
    %scan3A_77 = arith.addi %scan3A_75, %scan3A_76 : i32
    %scan3A_78 = arith.constant 1 : i32
    scf.for %scan3A_90 = %scan3A_75 to %scan3A_77 step %scan3A_78  : i32 {
      %swap3A_91 = arith.index_cast %scan3A_90 : i32 to index
      %swap3A_92 = arith.constant 0 : index
      %swap3A_93 = tpu.vector_load %arg10[%swap3A_91, %swap3A_92] {strides = array<i32>} : memref<16x64xf32, #tpu.memory_space<vmem>>, vector<16xf32>,
      tpu.vector_store %arg10[%swap3A_91, %swap3A_92], %broadcast_in_dim3A_15 {strides = array<i32>} : memref<16x64xf32, #tpu.memory_space<vmem>>, vector<16xf32>,
      %swap3A_94 = arith.index_cast %scan3A_90 : i32 to index
      %swap3A_95 = arith.constant 16 : index
      %swap3A_96 = tpu.vector_load %arg10[%swap3A_94, %swap3A_95] {strides = array<i32>} : memref<16x64xf32, #tpu.memory_space<vmem>>, vector<16xf32>,
      tpu.vector_store %arg10[%swap3A_94, %swap3A_95], %broadcast_in_dim3A_15 {strides = array<i32>} : memref<16x64xf32, #tpu.memory_space<vmem>>, vector<16xf32>,
      %swap3A_97 = arith.index_cast %scan3A_90 : i32 to index
      %swap3A_98 = arith.constant 32 : index
      %swap3A_99 = tpu.vector_load %arg10[%swap3A_97, %swap3A_98] {strides = array<i32>} : memref<16x64xf32, #tpu.memory_space<vmem>>, vector<16xf32>,
      tpu.vector_store %arg10[%swap3A_97, %swap3A_98], %broadcast_in_dim3A_15 {strides = array<i32>} : memref<16x64xf32, #tpu.memory_space<vmem>>, vector<16xf32>,
      %swap3A_100 = arith.index_cast %scan3A_90 : i32 to index
      %swap3A_101 = arith.constant 48 : index
      %swap3A_102 = tpu.vector_load %arg10[%swap3A_100, %swap3A_101] {strides = array<i32>} : memref<16x64xf32, #tpu.memory_space<vmem>>, vector<16xf32>,
      tpu.vector_store %arg10[%swap3A_100, %swap3A_101], %broadcast_in_dim3A_15 {strides = array<i32>} : memref<16x64xf32, #tpu.memory_space<vmem>>, vector<16xf32>,
    }
    %scan3A_79 = arith.constant 16 : i32
    %dma_wait3A_80 = arith.constant 0 : i32
    %dma_wait3A_81 = tpu.memref_slice %arg3[%dma_wait3A_80, %multiple_of3A] : memref<64x16384xf32, #tpu.memory_space<hbm>> -> memref<64x128xf32, #tpu.memory_space<hbm>>
    %dma_wait3A_82 = arith.constant 0 : i32
    %dma_wait3A_83 = tpu.memref_slice %arg3[%dma_wait3A_82, %multiple_of3A] : memref<64x16384xf32, #tpu.memory_space<hbm>> -> memref<64x128xf32, #tpu.memory_space<hbm>>
    tpu.wait_dma2 semaphore(%arg16 : memref<!tpu.dma_semaphore, #tpu.memory_space<semaphore_mem>>) src(%dma_wait3A_83 : memref<64x128xf32, #tpu.memory_space<hbm>>) dst(%arg9 : memref<64x128xf32, #tpu.memory_space<vmem>>)
    %scan3A_84 = arith.constant 0 : i32
    %scan3A_85 = arith.constant 0 : i32
    %scan3A_86 = arith.constant 16 : i32
    %scan3A_87 = arith.addi %scan3A_85, %scan3A_86 : i32
    %scan3A_88 = arith.constant 1 : i32
    scf.for %scan3A_90 = %scan3A_85 to %scan3A_87 step %scan3A_88  : i32 {
      %mul3A_91 = vector.broadcast %scan3A_90 : i32 to vector<16xi32>
      %mul3A_92 = arith.muli %broadcast_in_dim3A_13, %mul3A_91 : vector<16xi32>
      %gather3A_93 = tpu.vector_load_idx %arg13[%mul3A_92] : memref<16xi32, #tpu.memory_space<vmem>>[vector<16xi32>], vector<16xi32>,
      %slice3A = vector.extract_strided_slice %gather3A_93 {offsets = [0], sizes = [1], strides = [1]} : vector<16xi32> to vector<1xi32>
      %squeeze3A = vector.extract %slice3A[0] : i32 from vector<1xi32>
      %mul3A_94 = vector.broadcast %scan3A_90 : i32 to vector<16xi32>
      %mul3A_95 = arith.muli %broadcast_in_dim3A_13, %mul3A_94 : vector<16xi32>
      %gather3A_96 = tpu.vector_load_idx %arg14[%mul3A_95] : memref<16xi32, #tpu.memory_space<vmem>>[vector<16xi32>], vector<16xi32>,
      %slice3A_97 = vector.extract_strided_slice %gather3A_96 {offsets = [0], sizes = [1], strides = [1]} : vector<16xi32> to vector<1xi32>
      %squeeze3A_98 = vector.extract %slice3A_97[0] : i32 from vector<1xi32>
      %gt3A = arith.cmpi sgt, %squeeze3A_98, %squeeze3A : i32
      %convert_element_type3A = arith.extui %gt3A : i1 to i32
      %cond3A = arith.constant 0 : i32
      %cond3A_99 = arith.cmpi ne, %convert_element_type3A, %cond3A : i32
      scf.if %cond3A_99 {
        %add3A_100 = arith.constant 15 : i32
        %add3A_101 = arith.addi %squeeze3A, %add3A_100 : i32
        %shift_right_logical3A = arith.constant 4 : i32
        %shift_right_logical3A_102 = arith.shrui %add3A_101, %shift_right_logical3A : i32
        %shift_right_logical3A_103 = arith.constant 4 : i32
        %shift_right_logical3A_104 = arith.shrui %squeeze3A_98, %shift_right_logical3A_103 : i32
        %shift_right_logical3A_105 = arith.constant 4 : i32
        %shift_right_logical3A_106 = arith.shrui %squeeze3A, %shift_right_logical3A_105 : i32
        %mul3A_107 = arith.constant 16 : i32
        %mul3A_108 = arith.muli %shift_right_logical3A_106, %mul3A_107 : i32
        %mul3A_109 = arith.constant 16 : i32
        %mul3A_110 = arith.muli %shift_right_logical3A_104, %mul3A_109 : i32
        %min3A_111 = arith.constant 112 : i32
        %min3A_112 = arith.minsi %mul3A_110, %min3A_111 : i32
        %add3A_113 = vector.broadcast %mul3A_108 : i32 to vector<16xi32>
        %add3A_114 = arith.addi %add3A_113, %iota3A : vector<16xi32>
        %add3A_115 = vector.broadcast %mul3A_110 : i32 to vector<16xi32>
        %add3A_116 = arith.addi %add3A_115, %iota3A : vector<16xi32>
        %ge3A = vector.broadcast %squeeze3A : i32 to vector<16xi32>
        %ge3A_117 = arith.cmpi sge, %add3A_114, %ge3A : vector<16xi32>
        %lt3A = vector.broadcast %squeeze3A_98 : i32 to vector<16xi32>
        %lt3A_118 = arith.cmpi slt, %add3A_114, %lt3A : vector<16xi32>
        %and3A = arith.andi %ge3A_117, %lt3A_118 : vector<16xi1>
        %mul3A_119 = arith.constant 16 : i32
        %mul3A_120 = arith.muli %shift_right_logical3A_102, %mul3A_119 : i32
        %lt3A_121 = vector.broadcast %mul3A_120 : i32 to vector<16xi32>
        %lt3A_122 = arith.cmpi slt, %add3A_114, %lt3A_121 : vector<16xi32>
        %ge3A_123 = vector.broadcast %mul3A_110 : i32 to vector<16xi32>
        %ge3A_124 = arith.cmpi sge, %add3A_114, %ge3A_123 : vector<16xi32>
        %or3A = arith.ori %lt3A_122, %ge3A_124 : vector<16xi1>
        %and3A_125 = arith.andi %and3A, %or3A : vector<16xi1>
        %ge3A_126 = vector.broadcast %squeeze3A : i32 to vector<16xi32>
        %ge3A_127 = arith.cmpi sge, %add3A_116, %ge3A_126 : vector<16xi32>
        %lt3A_128 = vector.broadcast %squeeze3A_98 : i32 to vector<16xi32>
        %lt3A_129 = arith.cmpi slt, %add3A_116, %lt3A_128 : vector<16xi32>
        %and3A_130 = arith.andi %ge3A_127, %lt3A_129 : vector<16xi1>
        %ne3A = arith.cmpi ne, %shift_right_logical3A_104, %shift_right_logical3A_106 : i32
        %and3A_131 = vector.broadcast %ne3A : i1 to vector<16xi1>
        %and3A_132 = arith.andi %and3A_130, %and3A_131 : vector<16xi1>
        %scan3A_133 = arith.constant 0 : i32
        %scan3A_134 = arith.constant 0 : i32
        %scan3A_135 = arith.constant 8 : i32
        %scan3A_136 = arith.addi %scan3A_134, %scan3A_135 : i32
        %scan3A_137 = arith.constant 1 : i32
        scf.for %scan3A_157 = %scan3A_134 to %scan3A_136 step %scan3A_137  : i32 {
          %mul3A_158 = arith.constant 8 : i32
          %mul3A_159 = arith.muli %scan3A_157, %mul3A_158 : i32
          %while3A = arith.subi %shift_right_logical3A_104, %shift_right_logical3A_102 : i32
          %while3A_160 = arith.addi %shift_right_logical3A_102, %while3A : i32
          %while3A_161 = arith.constant 1 : i32
          %while3A_162 = arith.divsi %while3A, %while3A_161 : i32
          %while3A_163 = arith.muli %while3A_162, %while3A_161 : i32
          %while3A_164 = arith.addi %shift_right_logical3A_102, %while3A_163 : i32
          %while3A_165 = arith.constant 1 : i32
          %while3A_166:8 = scf.for %while3A_343 = %shift_right_logical3A_102 to %while3A_164 step %while3A_165 iter_args(%while3A_344 = %broadcast_in_dim3A_15, %while3A_345 = %broadcast_in_dim3A_15, %while3A_346 = %broadcast_in_dim3A_15, %while3A_347 = %broadcast_in_dim3A_15, %while3A_348 = %broadcast_in_dim3A_15, %while3A_349 = %broadcast_in_dim3A_15, %while3A_350 = %broadcast_in_dim3A_15, %while3A_351 = %broadcast_in_dim3A_15) -> (vector<16xf32>, vector<16xf32>, vector<16xf32>, vector<16xf32>, vector<16xf32>, vector<16xf32>, vector<16xf32>, vector<16xf32>)  : i32 {
            %mul3A_352 = arith.constant 16 : i32
            %mul3A_353 = arith.muli %while3A_343, %mul3A_352 : i32
            %add3A_354 = arith.constant 0 : i32
            %add3A_355 = arith.addi %mul3A_159, %add3A_354 : i32
            %get3A_356 = arith.index_cast %add3A_355 : i32 to index
            %get3A_357 = arith.index_cast %mul3A_353 : i32 to index
            %get3A_358 = tpu.vector_load %arg9[%get3A_356, %get3A_357] {strides = array<i32>} : memref<64x128xf32, #tpu.memory_space<vmem>>, vector<16xf32>,
            %add3A_359 = arith.addf %while3A_344, %get3A_358 : vector<16xf32>
            %add3A_360 = arith.constant 1 : i32
            %add3A_361 = arith.addi %mul3A_159, %add3A_360 : i32
            %get3A_362 = arith.index_cast %add3A_361 : i32 to index
            %get3A_363 = arith.index_cast %mul3A_353 : i32 to index
            %get3A_364 = tpu.vector_load %arg9[%get3A_362, %get3A_363] {strides = array<i32>} : memref<64x128xf32, #tpu.memory_space<vmem>>, vector<16xf32>,
            %add3A_365 = arith.addf %while3A_345, %get3A_364 : vector<16xf32>
            %add3A_366 = arith.constant 2 : i32
            %add3A_367 = arith.addi %mul3A_159, %add3A_366 : i32
            %get3A_368 = arith.index_cast %add3A_367 : i32 to index
            %get3A_369 = arith.index_cast %mul3A_353 : i32 to index
            %get3A_370 = tpu.vector_load %arg9[%get3A_368, %get3A_369] {strides = array<i32>} : memref<64x128xf32, #tpu.memory_space<vmem>>, vector<16xf32>,
            %add3A_371 = arith.addf %while3A_346, %get3A_370 : vector<16xf32>
            %add3A_372 = arith.constant 3 : i32
            %add3A_373 = arith.addi %mul3A_159, %add3A_372 : i32
            %get3A_374 = arith.index_cast %add3A_373 : i32 to index
            %get3A_375 = arith.index_cast %mul3A_353 : i32 to index
            %get3A_376 = tpu.vector_load %arg9[%get3A_374, %get3A_375] {strides = array<i32>} : memref<64x128xf32, #tpu.memory_space<vmem>>, vector<16xf32>,
            %add3A_377 = arith.addf %while3A_347, %get3A_376 : vector<16xf32>
            %add3A_378 = arith.constant 4 : i32
            %add3A_379 = arith.addi %mul3A_159, %add3A_378 : i32
            %get3A_380 = arith.index_cast %add3A_379 : i32 to index
            %get3A_381 = arith.index_cast %mul3A_353 : i32 to index
            %get3A_382 = tpu.vector_load %arg9[%get3A_380, %get3A_381] {strides = array<i32>} : memref<64x128xf32, #tpu.memory_space<vmem>>, vector<16xf32>,
            %add3A_383 = arith.addf %while3A_348, %get3A_382 : vector<16xf32>
            %add3A_384 = arith.constant 5 : i32
            %add3A_385 = arith.addi %mul3A_159, %add3A_384 : i32
            %get3A_386 = arith.index_cast %add3A_385 : i32 to index
            %get3A_387 = arith.index_cast %mul3A_353 : i32 to index
            %get3A_388 = tpu.vector_load %arg9[%get3A_386, %get3A_387] {strides = array<i32>} : memref<64x128xf32, #tpu.memory_space<vmem>>, vector<16xf32>,
            %add3A_389 = arith.addf %while3A_349, %get3A_388 : vector<16xf32>
            %add3A_390 = arith.constant 6 : i32
            %add3A_391 = arith.addi %mul3A_159, %add3A_390 : i32
            %get3A_392 = arith.index_cast %add3A_391 : i32 to index
            %get3A_393 = arith.index_cast %mul3A_353 : i32 to index
            %get3A_394 = tpu.vector_load %arg9[%get3A_392, %get3A_393] {strides = array<i32>} : memref<64x128xf32, #tpu.memory_space<vmem>>, vector<16xf32>,
            %add3A_395 = arith.addf %while3A_350, %get3A_394 : vector<16xf32>
            %add3A_396 = arith.constant 7 : i32
            %add3A_397 = arith.addi %mul3A_159, %add3A_396 : i32
            %get3A_398 = arith.index_cast %add3A_397 : i32 to index
            %get3A_399 = arith.index_cast %mul3A_353 : i32 to index
            %get3A_400 = tpu.vector_load %arg9[%get3A_398, %get3A_399] {strides = array<i32>} : memref<64x128xf32, #tpu.memory_space<vmem>>, vector<16xf32>,
            %add3A_401 = arith.addf %while3A_351, %get3A_400 : vector<16xf32>
            scf.yield %add3A_359, %add3A_365, %add3A_371, %add3A_377, %add3A_383, %add3A_389, %add3A_395, %add3A_401 : vector<16xf32>, vector<16xf32>, vector<16xf32>, vector<16xf32>, vector<16xf32>, vector<16xf32>, vector<16xf32>, vector<16xf32>
          }
          %while3A_167 = arith.constant 1 : i32
          %while3A_168:8 = scf.for %while3A_343 = %while3A_164 to %while3A_160 step %while3A_167 iter_args(%while3A_344 = %while3A_166#0, %while3A_345 = %while3A_166#1, %while3A_346 = %while3A_166#2, %while3A_347 = %while3A_166#3, %while3A_348 = %while3A_166#4, %while3A_349 = %while3A_166#5, %while3A_350 = %while3A_166#6, %while3A_351 = %while3A_166#7) -> (vector<16xf32>, vector<16xf32>, vector<16xf32>, vector<16xf32>, vector<16xf32>, vector<16xf32>, vector<16xf32>, vector<16xf32>)  : i32 {
            %mul3A_352 = arith.constant 16 : i32
            %mul3A_353 = arith.muli %while3A_343, %mul3A_352 : i32
            %add3A_354 = arith.constant 0 : i32
            %add3A_355 = arith.addi %mul3A_159, %add3A_354 : i32
            %get3A_356 = arith.index_cast %add3A_355 : i32 to index
            %get3A_357 = arith.index_cast %mul3A_353 : i32 to index
            %get3A_358 = tpu.vector_load %arg9[%get3A_356, %get3A_357] {strides = array<i32>} : memref<64x128xf32, #tpu.memory_space<vmem>>, vector<16xf32>,
            %add3A_359 = arith.addf %while3A_344, %get3A_358 : vector<16xf32>
            %add3A_360 = arith.constant 1 : i32
            %add3A_361 = arith.addi %mul3A_159, %add3A_360 : i32
            %get3A_362 = arith.index_cast %add3A_361 : i32 to index
            %get3A_363 = arith.index_cast %mul3A_353 : i32 to index
            %get3A_364 = tpu.vector_load %arg9[%get3A_362, %get3A_363] {strides = array<i32>} : memref<64x128xf32, #tpu.memory_space<vmem>>, vector<16xf32>,
            %add3A_365 = arith.addf %while3A_345, %get3A_364 : vector<16xf32>
            %add3A_366 = arith.constant 2 : i32
            %add3A_367 = arith.addi %mul3A_159, %add3A_366 : i32
            %get3A_368 = arith.index_cast %add3A_367 : i32 to index
            %get3A_369 = arith.index_cast %mul3A_353 : i32 to index
            %get3A_370 = tpu.vector_load %arg9[%get3A_368, %get3A_369] {strides = array<i32>} : memref<64x128xf32, #tpu.memory_space<vmem>>, vector<16xf32>,
            %add3A_371 = arith.addf %while3A_346, %get3A_370 : vector<16xf32>
            %add3A_372 = arith.constant 3 : i32
            %add3A_373 = arith.addi %mul3A_159, %add3A_372 : i32
            %get3A_374 = arith.index_cast %add3A_373 : i32 to index
            %get3A_375 = arith.index_cast %mul3A_353 : i32 to index
            %get3A_376 = tpu.vector_load %arg9[%get3A_374, %get3A_375] {strides = array<i32>} : memref<64x128xf32, #tpu.memory_space<vmem>>, vector<16xf32>,
            %add3A_377 = arith.addf %while3A_347, %get3A_376 : vector<16xf32>
            %add3A_378 = arith.constant 4 : i32
            %add3A_379 = arith.addi %mul3A_159, %add3A_378 : i32
            %get3A_380 = arith.index_cast %add3A_379 : i32 to index
            %get3A_381 = arith.index_cast %mul3A_353 : i32 to index
            %get3A_382 = tpu.vector_load %arg9[%get3A_380, %get3A_381] {strides = array<i32>} : memref<64x128xf32, #tpu.memory_space<vmem>>, vector<16xf32>,
            %add3A_383 = arith.addf %while3A_348, %get3A_382 : vector<16xf32>
            %add3A_384 = arith.constant 5 : i32
            %add3A_385 = arith.addi %mul3A_159, %add3A_384 : i32
            %get3A_386 = arith.index_cast %add3A_385 : i32 to index
            %get3A_387 = arith.index_cast %mul3A_353 : i32 to index
            %get3A_388 = tpu.vector_load %arg9[%get3A_386, %get3A_387] {strides = array<i32>} : memref<64x128xf32, #tpu.memory_space<vmem>>, vector<16xf32>,
            %add3A_389 = arith.addf %while3A_349, %get3A_388 : vector<16xf32>
            %add3A_390 = arith.constant 6 : i32
            %add3A_391 = arith.addi %mul3A_159, %add3A_390 : i32
            %get3A_392 = arith.index_cast %add3A_391 : i32 to index
            %get3A_393 = arith.index_cast %mul3A_353 : i32 to index
            %get3A_394 = tpu.vector_load %arg9[%get3A_392, %get3A_393] {strides = array<i32>} : memref<64x128xf32, #tpu.memory_space<vmem>>, vector<16xf32>,
            %add3A_395 = arith.addf %while3A_350, %get3A_394 : vector<16xf32>
            %add3A_396 = arith.constant 7 : i32
            %add3A_397 = arith.addi %mul3A_159, %add3A_396 : i32
            %get3A_398 = arith.index_cast %add3A_397 : i32 to index
            %get3A_399 = arith.index_cast %mul3A_353 : i32 to index
            %get3A_400 = tpu.vector_load %arg9[%get3A_398, %get3A_399] {strides = array<i32>} : memref<64x128xf32, #tpu.memory_space<vmem>>, vector<16xf32>,
            %add3A_401 = arith.addf %while3A_351, %get3A_400 : vector<16xf32>
            scf.yield %add3A_359, %add3A_365, %add3A_371, %add3A_377, %add3A_383, %add3A_389, %add3A_395, %add3A_401 : vector<16xf32>, vector<16xf32>, vector<16xf32>, vector<16xf32>, vector<16xf32>, vector<16xf32>, vector<16xf32>, vector<16xf32>
          }
          %add3A_169 = arith.constant 0 : i32
          %add3A_170 = arith.addi %mul3A_159, %add3A_169 : i32
          %get3A = arith.index_cast %add3A_170 : i32 to index
          %get3A_171 = arith.index_cast %mul3A_108 : i32 to index
          %get3A_172 = tpu.vector_load %arg9[%get3A, %get3A_171] {strides = array<i32>} : memref<64x128xf32, #tpu.memory_space<vmem>>, vector<16xf32>,
          %jit3A_173 = arith.constant 0.000000e+00 : f32
          %broadcast_in_dim3A_174 = vector.broadcast %jit3A_173 : f32 to vector<16xf32>
          %select_n3A = arith.select %and3A_125, %get3A_172, %broadcast_in_dim3A_174 : vector<16xi1>, vector<16xf32>
          %add3A_175 = arith.addf %while3A_168#0, %select_n3A : vector<16xf32>
          %add3A_176 = arith.constant 0 : i32
          %add3A_177 = arith.addi %mul3A_159, %add3A_176 : i32
          %get3A_178 = arith.index_cast %add3A_177 : i32 to index
          %get3A_179 = arith.index_cast %min3A_112 : i32 to index
          %get3A_180 = tpu.vector_load %arg9[%get3A_178, %get3A_179] {strides = array<i32>} : memref<64x128xf32, #tpu.memory_space<vmem>>, vector<16xf32>,
          %jit3A_181 = arith.constant 0.000000e+00 : f32
          %broadcast_in_dim3A_182 = vector.broadcast %jit3A_181 : f32 to vector<16xf32>
          %select_n3A_183 = arith.select %and3A_132, %get3A_180, %broadcast_in_dim3A_182 : vector<16xi1>, vector<16xf32>
          %add3A_184 = arith.addf %add3A_175, %select_n3A_183 : vector<16xf32>
          %add3A_185 = arith.constant 1 : i32
          %add3A_186 = arith.addi %mul3A_159, %add3A_185 : i32
          %get3A_187 = arith.index_cast %add3A_186 : i32 to index
          %get3A_188 = arith.index_cast %mul3A_108 : i32 to index
          %get3A_189 = tpu.vector_load %arg9[%get3A_187, %get3A_188] {strides = array<i32>} : memref<64x128xf32, #tpu.memory_space<vmem>>, vector<16xf32>,
          %jit3A_190 = arith.constant 0.000000e+00 : f32
          %broadcast_in_dim3A_191 = vector.broadcast %jit3A_190 : f32 to vector<16xf32>
          %select_n3A_192 = arith.select %and3A_125, %get3A_189, %broadcast_in_dim3A_191 : vector<16xi1>, vector<16xf32>
          %add3A_193 = arith.addf %while3A_168#1, %select_n3A_192 : vector<16xf32>
          %add3A_194 = arith.constant 1 : i32
          %add3A_195 = arith.addi %mul3A_159, %add3A_194 : i32
          %get3A_196 = arith.index_cast %add3A_195 : i32 to index
          %get3A_197 = arith.index_cast %min3A_112 : i32 to index
          %get3A_198 = tpu.vector_load %arg9[%get3A_196, %get3A_197] {strides = array<i32>} : memref<64x128xf32, #tpu.memory_space<vmem>>, vector<16xf32>,
          %jit3A_199 = arith.constant 0.000000e+00 : f32
          %broadcast_in_dim3A_200 = vector.broadcast %jit3A_199 : f32 to vector<16xf32>
          %select_n3A_201 = arith.select %and3A_132, %get3A_198, %broadcast_in_dim3A_200 : vector<16xi1>, vector<16xf32>
          %add3A_202 = arith.addf %add3A_193, %select_n3A_201 : vector<16xf32>
          %add3A_203 = arith.constant 2 : i32
          %add3A_204 = arith.addi %mul3A_159, %add3A_203 : i32
          %get3A_205 = arith.index_cast %add3A_204 : i32 to index
          %get3A_206 = arith.index_cast %mul3A_108 : i32 to index
          %get3A_207 = tpu.vector_load %arg9[%get3A_205, %get3A_206] {strides = array<i32>} : memref<64x128xf32, #tpu.memory_space<vmem>>, vector<16xf32>,
          %jit3A_208 = arith.constant 0.000000e+00 : f32
          %broadcast_in_dim3A_209 = vector.broadcast %jit3A_208 : f32 to vector<16xf32>
          %select_n3A_210 = arith.select %and3A_125, %get3A_207, %broadcast_in_dim3A_209 : vector<16xi1>, vector<16xf32>
          %add3A_211 = arith.addf %while3A_168#2, %select_n3A_210 : vector<16xf32>
          %add3A_212 = arith.constant 2 : i32
          %add3A_213 = arith.addi %mul3A_159, %add3A_212 : i32
          %get3A_214 = arith.index_cast %add3A_213 : i32 to index
          %get3A_215 = arith.index_cast %min3A_112 : i32 to index
          %get3A_216 = tpu.vector_load %arg9[%get3A_214, %get3A_215] {strides = array<i32>} : memref<64x128xf32, #tpu.memory_space<vmem>>, vector<16xf32>,
          %jit3A_217 = arith.constant 0.000000e+00 : f32
          %broadcast_in_dim3A_218 = vector.broadcast %jit3A_217 : f32 to vector<16xf32>
          %select_n3A_219 = arith.select %and3A_132, %get3A_216, %broadcast_in_dim3A_218 : vector<16xi1>, vector<16xf32>
          %add3A_220 = arith.addf %add3A_211, %select_n3A_219 : vector<16xf32>
          %add3A_221 = arith.constant 3 : i32
          %add3A_222 = arith.addi %mul3A_159, %add3A_221 : i32
          %get3A_223 = arith.index_cast %add3A_222 : i32 to index
          %get3A_224 = arith.index_cast %mul3A_108 : i32 to index
          %get3A_225 = tpu.vector_load %arg9[%get3A_223, %get3A_224] {strides = array<i32>} : memref<64x128xf32, #tpu.memory_space<vmem>>, vector<16xf32>,
          %jit3A_226 = arith.constant 0.000000e+00 : f32
          %broadcast_in_dim3A_227 = vector.broadcast %jit3A_226 : f32 to vector<16xf32>
          %select_n3A_228 = arith.select %and3A_125, %get3A_225, %broadcast_in_dim3A_227 : vector<16xi1>, vector<16xf32>
          %add3A_229 = arith.addf %while3A_168#3, %select_n3A_228 : vector<16xf32>
          %add3A_230 = arith.constant 3 : i32
          %add3A_231 = arith.addi %mul3A_159, %add3A_230 : i32
          %get3A_232 = arith.index_cast %add3A_231 : i32 to index
          %get3A_233 = arith.index_cast %min3A_112 : i32 to index
          %get3A_234 = tpu.vector_load %arg9[%get3A_232, %get3A_233] {strides = array<i32>} : memref<64x128xf32, #tpu.memory_space<vmem>>, vector<16xf32>,
          %jit3A_235 = arith.constant 0.000000e+00 : f32
          %broadcast_in_dim3A_236 = vector.broadcast %jit3A_235 : f32 to vector<16xf32>
          %select_n3A_237 = arith.select %and3A_132, %get3A_234, %broadcast_in_dim3A_236 : vector<16xi1>, vector<16xf32>
          %add3A_238 = arith.addf %add3A_229, %select_n3A_237 : vector<16xf32>
          %add3A_239 = arith.constant 4 : i32
          %add3A_240 = arith.addi %mul3A_159, %add3A_239 : i32
          %get3A_241 = arith.index_cast %add3A_240 : i32 to index
          %get3A_242 = arith.index_cast %mul3A_108 : i32 to index
          %get3A_243 = tpu.vector_load %arg9[%get3A_241, %get3A_242] {strides = array<i32>} : memref<64x128xf32, #tpu.memory_space<vmem>>, vector<16xf32>,
          %jit3A_244 = arith.constant 0.000000e+00 : f32
          %broadcast_in_dim3A_245 = vector.broadcast %jit3A_244 : f32 to vector<16xf32>
          %select_n3A_246 = arith.select %and3A_125, %get3A_243, %broadcast_in_dim3A_245 : vector<16xi1>, vector<16xf32>
          %add3A_247 = arith.addf %while3A_168#4, %select_n3A_246 : vector<16xf32>
          %add3A_248 = arith.constant 4 : i32
          %add3A_249 = arith.addi %mul3A_159, %add3A_248 : i32
          %get3A_250 = arith.index_cast %add3A_249 : i32 to index
          %get3A_251 = arith.index_cast %min3A_112 : i32 to index
          %get3A_252 = tpu.vector_load %arg9[%get3A_250, %get3A_251] {strides = array<i32>} : memref<64x128xf32, #tpu.memory_space<vmem>>, vector<16xf32>,
          %jit3A_253 = arith.constant 0.000000e+00 : f32
          %broadcast_in_dim3A_254 = vector.broadcast %jit3A_253 : f32 to vector<16xf32>
          %select_n3A_255 = arith.select %and3A_132, %get3A_252, %broadcast_in_dim3A_254 : vector<16xi1>, vector<16xf32>
          %add3A_256 = arith.addf %add3A_247, %select_n3A_255 : vector<16xf32>
          %add3A_257 = arith.constant 5 : i32
          %add3A_258 = arith.addi %mul3A_159, %add3A_257 : i32
          %get3A_259 = arith.index_cast %add3A_258 : i32 to index
          %get3A_260 = arith.index_cast %mul3A_108 : i32 to index
          %get3A_261 = tpu.vector_load %arg9[%get3A_259, %get3A_260] {strides = array<i32>} : memref<64x128xf32, #tpu.memory_space<vmem>>, vector<16xf32>,
          %jit3A_262 = arith.constant 0.000000e+00 : f32
          %broadcast_in_dim3A_263 = vector.broadcast %jit3A_262 : f32 to vector<16xf32>
          %select_n3A_264 = arith.select %and3A_125, %get3A_261, %broadcast_in_dim3A_263 : vector<16xi1>, vector<16xf32>
          %add3A_265 = arith.addf %while3A_168#5, %select_n3A_264 : vector<16xf32>
          %add3A_266 = arith.constant 5 : i32
          %add3A_267 = arith.addi %mul3A_159, %add3A_266 : i32
          %get3A_268 = arith.index_cast %add3A_267 : i32 to index
          %get3A_269 = arith.index_cast %min3A_112 : i32 to index
          %get3A_270 = tpu.vector_load %arg9[%get3A_268, %get3A_269] {strides = array<i32>} : memref<64x128xf32, #tpu.memory_space<vmem>>, vector<16xf32>,
          %jit3A_271 = arith.constant 0.000000e+00 : f32
          %broadcast_in_dim3A_272 = vector.broadcast %jit3A_271 : f32 to vector<16xf32>
          %select_n3A_273 = arith.select %and3A_132, %get3A_270, %broadcast_in_dim3A_272 : vector<16xi1>, vector<16xf32>
          %add3A_274 = arith.addf %add3A_265, %select_n3A_273 : vector<16xf32>
          %add3A_275 = arith.constant 6 : i32
          %add3A_276 = arith.addi %mul3A_159, %add3A_275 : i32
          %get3A_277 = arith.index_cast %add3A_276 : i32 to index
          %get3A_278 = arith.index_cast %mul3A_108 : i32 to index
          %get3A_279 = tpu.vector_load %arg9[%get3A_277, %get3A_278] {strides = array<i32>} : memref<64x128xf32, #tpu.memory_space<vmem>>, vector<16xf32>,
          %jit3A_280 = arith.constant 0.000000e+00 : f32
          %broadcast_in_dim3A_281 = vector.broadcast %jit3A_280 : f32 to vector<16xf32>
          %select_n3A_282 = arith.select %and3A_125, %get3A_279, %broadcast_in_dim3A_281 : vector<16xi1>, vector<16xf32>
          %add3A_283 = arith.addf %while3A_168#6, %select_n3A_282 : vector<16xf32>
          %add3A_284 = arith.constant 6 : i32
          %add3A_285 = arith.addi %mul3A_159, %add3A_284 : i32
          %get3A_286 = arith.index_cast %add3A_285 : i32 to index
          %get3A_287 = arith.index_cast %min3A_112 : i32 to index
          %get3A_288 = tpu.vector_load %arg9[%get3A_286, %get3A_287] {strides = array<i32>} : memref<64x128xf32, #tpu.memory_space<vmem>>, vector<16xf32>,
          %jit3A_289 = arith.constant 0.000000e+00 : f32
          %broadcast_in_dim3A_290 = vector.broadcast %jit3A_289 : f32 to vector<16xf32>
          %select_n3A_291 = arith.select %and3A_132, %get3A_288, %broadcast_in_dim3A_290 : vector<16xi1>, vector<16xf32>
          %add3A_292 = arith.addf %add3A_283, %select_n3A_291 : vector<16xf32>
          %add3A_293 = arith.constant 7 : i32
          %add3A_294 = arith.addi %mul3A_159, %add3A_293 : i32
          %get3A_295 = arith.index_cast %add3A_294 : i32 to index
          %get3A_296 = arith.index_cast %mul3A_108 : i32 to index
          %get3A_297 = tpu.vector_load %arg9[%get3A_295, %get3A_296] {strides = array<i32>} : memref<64x128xf32, #tpu.memory_space<vmem>>, vector<16xf32>,
          %jit3A_298 = arith.constant 0.000000e+00 : f32
          %broadcast_in_dim3A_299 = vector.broadcast %jit3A_298 : f32 to vector<16xf32>
          %select_n3A_300 = arith.select %and3A_125, %get3A_297, %broadcast_in_dim3A_299 : vector<16xi1>, vector<16xf32>
          %add3A_301 = arith.addf %while3A_168#7, %select_n3A_300 : vector<16xf32>
          %add3A_302 = arith.constant 7 : i32
          %add3A_303 = arith.addi %mul3A_159, %add3A_302 : i32
          %get3A_304 = arith.index_cast %add3A_303 : i32 to index
          %get3A_305 = arith.index_cast %min3A_112 : i32 to index
          %get3A_306 = tpu.vector_load %arg9[%get3A_304, %get3A_305] {strides = array<i32>} : memref<64x128xf32, #tpu.memory_space<vmem>>, vector<16xf32>,
          %jit3A_307 = arith.constant 0.000000e+00 : f32
          %broadcast_in_dim3A_308 = vector.broadcast %jit3A_307 : f32 to vector<16xf32>
          %select_n3A_309 = arith.select %and3A_132, %get3A_306, %broadcast_in_dim3A_308 : vector<16xi1>, vector<16xf32>
          %add3A_310 = arith.addf %add3A_301, %select_n3A_309 : vector<16xf32>
          %add3A_311 = arith.constant 0 : i32
          %add3A_312 = arith.addi %mul3A_159, %add3A_311 : i32
          %add3A_313 = vector.broadcast %add3A_312 : i32 to vector<16xi32>
          %add3A_314 = arith.addi %mul3A_12, %add3A_313 : vector<16xi32>
          tpu.vector_store_idx %arg11[%add3A_314], %add3A_184 : memref<1024xf32, #tpu.memory_space<vmem>>[vector<16xi32>], vector<16xf32>,
          %add3A_315 = arith.constant 1 : i32
          %add3A_316 = arith.addi %mul3A_159, %add3A_315 : i32
          %add3A_317 = vector.broadcast %add3A_316 : i32 to vector<16xi32>
          %add3A_318 = arith.addi %mul3A_12, %add3A_317 : vector<16xi32>
          tpu.vector_store_idx %arg11[%add3A_318], %add3A_202 : memref<1024xf32, #tpu.memory_space<vmem>>[vector<16xi32>], vector<16xf32>,
          %add3A_319 = arith.constant 2 : i32
          %add3A_320 = arith.addi %mul3A_159, %add3A_319 : i32
          %add3A_321 = vector.broadcast %add3A_320 : i32 to vector<16xi32>
          %add3A_322 = arith.addi %mul3A_12, %add3A_321 : vector<16xi32>
          tpu.vector_store_idx %arg11[%add3A_322], %add3A_220 : memref<1024xf32, #tpu.memory_space<vmem>>[vector<16xi32>], vector<16xf32>,
          %add3A_323 = arith.constant 3 : i32
          %add3A_324 = arith.addi %mul3A_159, %add3A_323 : i32
          %add3A_325 = vector.broadcast %add3A_324 : i32 to vector<16xi32>
          %add3A_326 = arith.addi %mul3A_12, %add3A_325 : vector<16xi32>
          tpu.vector_store_idx %arg11[%add3A_326], %add3A_238 : memref<1024xf32, #tpu.memory_space<vmem>>[vector<16xi32>], vector<16xf32>,
          %add3A_327 = arith.constant 4 : i32
          %add3A_328 = arith.addi %mul3A_159, %add3A_327 : i32
          %add3A_329 = vector.broadcast %add3A_328 : i32 to vector<16xi32>
          %add3A_330 = arith.addi %mul3A_12, %add3A_329 : vector<16xi32>
          tpu.vector_store_idx %arg11[%add3A_330], %add3A_256 : memref<1024xf32, #tpu.memory_space<vmem>>[vector<16xi32>], vector<16xf32>,
          %add3A_331 = arith.constant 5 : i32
          %add3A_332 = arith.addi %mul3A_159, %add3A_331 : i32
          %add3A_333 = vector.broadcast %add3A_332 : i32 to vector<16xi32>
          %add3A_334 = arith.addi %mul3A_12, %add3A_333 : vector<16xi32>
          tpu.vector_store_idx %arg11[%add3A_334], %add3A_274 : memref<1024xf32, #tpu.memory_space<vmem>>[vector<16xi32>], vector<16xf32>,
          %add3A_335 = arith.constant 6 : i32
          %add3A_336 = arith.addi %mul3A_159, %add3A_335 : i32
          %add3A_337 = vector.broadcast %add3A_336 : i32 to vector<16xi32>
          %add3A_338 = arith.addi %mul3A_12, %add3A_337 : vector<16xi32>
          tpu.vector_store_idx %arg11[%add3A_338], %add3A_292 : memref<1024xf32, #tpu.memory_space<vmem>>[vector<16xi32>], vector<16xf32>,
          %add3A_339 = arith.constant 7 : i32
          %add3A_340 = arith.addi %mul3A_159, %add3A_339 : i32
          %add3A_341 = vector.broadcast %add3A_340 : i32 to vector<16xi32>
          %add3A_342 = arith.addi %mul3A_12, %add3A_341 : vector<16xi32>
          tpu.vector_store_idx %arg11[%add3A_342], %add3A_310 : memref<1024xf32, #tpu.memory_space<vmem>>[vector<16xi32>], vector<16xf32>,
        }
        %scan3A_138 = arith.constant 8 : i32
        %scan3A_139 = arith.constant 0 : i32
        %scan3A_140 = arith.constant 16 : i32
        %scan3A_141 = arith.addi %scan3A_139, %scan3A_140 : i32
        %scan3A_142 = arith.constant 1 : i32
        %scan3A_143:4 = scf.for %scan3A_157 = %scan3A_139 to %scan3A_141 step %scan3A_142 iter_args(%scan3A_158 = %broadcast_in_dim3A_15, %scan3A_159 = %broadcast_in_dim3A_15, %scan3A_160 = %broadcast_in_dim3A_15, %scan3A_161 = %broadcast_in_dim3A_15) -> (vector<16xf32>, vector<16xf32>, vector<16xf32>, vector<16xf32>)  : i32 {
          %mul3A_162 = arith.constant 64 : i32
          %mul3A_163 = arith.muli %scan3A_157, %mul3A_162 : i32
          %add3A_164 = arith.constant 0 : i32
          %add3A_165 = arith.addi %mul3A_163, %add3A_164 : i32
          %get3A = arith.index_cast %add3A_165 : i32 to index
          %get3A_166 = tpu.vector_load %arg11[%get3A] {strides = array<i32>} : memref<1024xf32, #tpu.memory_space<vmem>>, vector<16xf32>,
          %add3A_167 = arith.addf %scan3A_158, %get3A_166 : vector<16xf32>
          %add3A_168 = arith.constant 16 : i32
          %add3A_169 = arith.addi %mul3A_163, %add3A_168 : i32
          %get3A_170 = arith.index_cast %add3A_169 : i32 to index
          %get3A_171 = tpu.vector_load %arg11[%get3A_170] {strides = array<i32>} : memref<1024xf32, #tpu.memory_space<vmem>>, vector<16xf32>,
          %add3A_172 = arith.addf %scan3A_159, %get3A_171 : vector<16xf32>
          %add3A_173 = arith.constant 32 : i32
          %add3A_174 = arith.addi %mul3A_163, %add3A_173 : i32
          %get3A_175 = arith.index_cast %add3A_174 : i32 to index
          %get3A_176 = tpu.vector_load %arg11[%get3A_175] {strides = array<i32>} : memref<1024xf32, #tpu.memory_space<vmem>>, vector<16xf32>,
          %add3A_177 = arith.addf %scan3A_160, %get3A_176 : vector<16xf32>
          %add3A_178 = arith.constant 48 : i32
          %add3A_179 = arith.addi %mul3A_163, %add3A_178 : i32
          %get3A_180 = arith.index_cast %add3A_179 : i32 to index
          %get3A_181 = tpu.vector_load %arg11[%get3A_180] {strides = array<i32>} : memref<1024xf32, #tpu.memory_space<vmem>>, vector<16xf32>,
          %add3A_182 = arith.addf %scan3A_161, %get3A_181 : vector<16xf32>
          scf.yield %add3A_167, %add3A_172, %add3A_177, %add3A_182 : vector<16xf32>, vector<16xf32>, vector<16xf32>, vector<16xf32>
        }
        %scan3A_144 = arith.constant 16 : i32
        %swap3A_145 = arith.index_cast %scan3A_90 : i32 to index
        %swap3A_146 = arith.constant 0 : index
        %swap3A_147 = tpu.vector_load %arg10[%swap3A_145, %swap3A_146] {strides = array<i32>} : memref<16x64xf32, #tpu.memory_space<vmem>>, vector<16xf32>,
        tpu.vector_store %arg10[%swap3A_145, %swap3A_146], %scan3A_143#0 {strides = array<i32>} : memref<16x64xf32, #tpu.memory_space<vmem>>, vector<16xf32>,
        %swap3A_148 = arith.index_cast %scan3A_90 : i32 to index
        %swap3A_149 = arith.constant 16 : index
        %swap3A_150 = tpu.vector_load %arg10[%swap3A_148, %swap3A_149] {strides = array<i32>} : memref<16x64xf32, #tpu.memory_space<vmem>>, vector<16xf32>,
        tpu.vector_store %arg10[%swap3A_148, %swap3A_149], %scan3A_143#1 {strides = array<i32>} : memref<16x64xf32, #tpu.memory_space<vmem>>, vector<16xf32>,
        %swap3A_151 = arith.index_cast %scan3A_90 : i32 to index
        %swap3A_152 = arith.constant 32 : index
        %swap3A_153 = tpu.vector_load %arg10[%swap3A_151, %swap3A_152] {strides = array<i32>} : memref<16x64xf32, #tpu.memory_space<vmem>>, vector<16xf32>,
        tpu.vector_store %arg10[%swap3A_151, %swap3A_152], %scan3A_143#2 {strides = array<i32>} : memref<16x64xf32, #tpu.memory_space<vmem>>, vector<16xf32>,
        %swap3A_154 = arith.index_cast %scan3A_90 : i32 to index
        %swap3A_155 = arith.constant 48 : index
        %swap3A_156 = tpu.vector_load %arg10[%swap3A_154, %swap3A_155] {strides = array<i32>} : memref<16x64xf32, #tpu.memory_space<vmem>>, vector<16xf32>,
        tpu.vector_store %arg10[%swap3A_154, %swap3A_155], %scan3A_143#3 {strides = array<i32>} : memref<16x64xf32, #tpu.memory_space<vmem>>, vector<16xf32>,
      } else {
      }
    }
    %scan3A_89 = arith.constant 16 : i32
    "tpu.region"() ({
      %run_scoped3A = tpu.sem_alloc : memref<!tpu.dma_semaphore, #tpu.memory_space<semaphore_mem>>
      %dma_start3A_90 = arith.constant 0 : i32
      %dma_start3A_91 = arith.constant 0 : i32
      %dma_start3A_92 = tpu.memref_slice %arg7[%add3A, %dma_start3A_90, %dma_start3A_91] : memref<32x16x64xf32, #tpu.memory_space<hbm>> -> memref<1x16x64xf32, #tpu.memory_space<hbm>>
      %dma_start3A_93 = tpu.memref_squeeze %dma_start3A_92 : memref<1x16x64xf32, #tpu.memory_space<hbm>> -> memref<16x64xf32, #tpu.memory_space<hbm>>
      %dma_start3A_94 = arith.constant 0 : i32
      %dma_start3A_95 = arith.constant 0 : i32
      %dma_start3A_96 = tpu.memref_slice %arg7[%add3A, %dma_start3A_94, %dma_start3A_95] : memref<32x16x64xf32, #tpu.memory_space<hbm>> -> memref<1x16x64xf32, #tpu.memory_space<hbm>>
      %dma_start3A_97 = tpu.memref_squeeze %dma_start3A_96 : memref<1x16x64xf32, #tpu.memory_space<hbm>> -> memref<16x64xf32, #tpu.memory_space<hbm>>
      tpu.enqueue_dma source(%arg10 : memref<16x64xf32, #tpu.memory_space<vmem>>) target(%dma_start3A_97 : memref<16x64xf32, #tpu.memory_space<hbm>>) target_semaphore(%run_scoped3A : memref<!tpu.dma_semaphore, #tpu.memory_space<semaphore_mem>>)
      %dma_wait3A_98 = arith.constant 0 : i32
      %dma_wait3A_99 = arith.constant 0 : i32
      %dma_wait3A_100 = tpu.memref_slice %arg7[%add3A, %dma_wait3A_98, %dma_wait3A_99] : memref<32x16x64xf32, #tpu.memory_space<hbm>> -> memref<1x16x64xf32, #tpu.memory_space<hbm>>
      %dma_wait3A_101 = tpu.memref_squeeze %dma_wait3A_100 : memref<1x16x64xf32, #tpu.memory_space<hbm>> -> memref<16x64xf32, #tpu.memory_space<hbm>>
      %dma_wait3A_102 = arith.constant 0 : i32
      %dma_wait3A_103 = arith.constant 0 : i32
      %dma_wait3A_104 = tpu.memref_slice %arg7[%add3A, %dma_wait3A_102, %dma_wait3A_103] : memref<32x16x64xf32, #tpu.memory_space<hbm>> -> memref<1x16x64xf32, #tpu.memory_space<hbm>>
      %dma_wait3A_105 = tpu.memref_squeeze %dma_wait3A_104 : memref<1x16x64xf32, #tpu.memory_space<hbm>> -> memref<16x64xf32, #tpu.memory_space<hbm>>
      tpu.wait_dma2 semaphore(%run_scoped3A : memref<!tpu.dma_semaphore, #tpu.memory_space<semaphore_mem>>) src(%arg10 : memref<16x64xf32, #tpu.memory_space<vmem>>) dst(%dma_wait3A_105 : memref<16x64xf32, #tpu.memory_space<hbm>>)
      tpu.yield
    }) : () -> ()
    return
  }
}

module attributes {stable_mosaic.version = 14 : i64} {
  func.func @_finish_body(%arg0: memref<17xi32, #tpu.memory_space<smem>>, %arg1: memref<17xi32, #tpu.memory_space<smem>>, %arg2: memref<32x16x64xf32, #tpu.memory_space<vmem>>, %arg3: memref<32x16x64xf32, #tpu.memory_space<vmem>>, %arg4: memref<16x64xf32, #tpu.memory_space<vmem>>, %arg5: memref<16x64xf32, #tpu.memory_space<vmem>>, %arg6: memref<16x8xf32, #tpu.memory_space<vmem>>, %arg7: memref<64x32xf32, #tpu.memory_space<vmem>>, %arg8: memref<1x32xf32, #tpu.memory_space<vmem>>, %arg9: memref<64x32xf32, #tpu.memory_space<vmem>>, %arg10: memref<1x32xf32, #tpu.memory_space<vmem>>, %arg11: memref<16x72xf32, #tpu.memory_space<vmem>>) attributes {dimension_semantics = [], scalar_prefetch = 0 : i64, scratch_operands = 0 : i64, tpu.core_type = #tpu.core_type<tc>} {
    %get3A = arith.constant 1 : index
    %get3A_0 = memref.load %arg0[%get3A] : memref<17xi32, #tpu.memory_space<smem>>
    %get3A_1 = arith.constant 0 : index
    %get3A_2 = memref.load %arg0[%get3A_1] : memref<17xi32, #tpu.memory_space<smem>>
    %sub3A = arith.subi %get3A_0, %get3A_2 : i32
    %get3A_3 = arith.constant 2 : index
    %get3A_4 = memref.load %arg0[%get3A_3] : memref<17xi32, #tpu.memory_space<smem>>
    %get3A_5 = arith.constant 1 : index
    %get3A_6 = memref.load %arg0[%get3A_5] : memref<17xi32, #tpu.memory_space<smem>>
    %sub3A_7 = arith.subi %get3A_4, %get3A_6 : i32
    %max3A = arith.maxsi %sub3A, %sub3A_7 : i32
    %get3A_8 = arith.constant 3 : index
    %get3A_9 = memref.load %arg0[%get3A_8] : memref<17xi32, #tpu.memory_space<smem>>
    %get3A_10 = arith.constant 2 : index
    %get3A_11 = memref.load %arg0[%get3A_10] : memref<17xi32, #tpu.memory_space<smem>>
    %sub3A_12 = arith.subi %get3A_9, %get3A_11 : i32
    %max3A_13 = arith.maxsi %max3A, %sub3A_12 : i32
    %get3A_14 = arith.constant 4 : index
    %get3A_15 = memref.load %arg0[%get3A_14] : memref<17xi32, #tpu.memory_space<smem>>
    %get3A_16 = arith.constant 3 : index
    %get3A_17 = memref.load %arg0[%get3A_16] : memref<17xi32, #tpu.memory_space<smem>>
    %sub3A_18 = arith.subi %get3A_15, %get3A_17 : i32
    %max3A_19 = arith.maxsi %max3A_13, %sub3A_18 : i32
    %get3A_20 = arith.constant 5 : index
    %get3A_21 = memref.load %arg0[%get3A_20] : memref<17xi32, #tpu.memory_space<smem>>
    %get3A_22 = arith.constant 4 : index
    %get3A_23 = memref.load %arg0[%get3A_22] : memref<17xi32, #tpu.memory_space<smem>>
    %sub3A_24 = arith.subi %get3A_21, %get3A_23 : i32
    %max3A_25 = arith.maxsi %max3A_19, %sub3A_24 : i32
    %get3A_26 = arith.constant 6 : index
    %get3A_27 = memref.load %arg0[%get3A_26] : memref<17xi32, #tpu.memory_space<smem>>
    %get3A_28 = arith.constant 5 : index
    %get3A_29 = memref.load %arg0[%get3A_28] : memref<17xi32, #tpu.memory_space<smem>>
    %sub3A_30 = arith.subi %get3A_27, %get3A_29 : i32
    %max3A_31 = arith.maxsi %max3A_25, %sub3A_30 : i32
    %get3A_32 = arith.constant 7 : index
    %get3A_33 = memref.load %arg0[%get3A_32] : memref<17xi32, #tpu.memory_space<smem>>
    %get3A_34 = arith.constant 6 : index
    %get3A_35 = memref.load %arg0[%get3A_34] : memref<17xi32, #tpu.memory_space<smem>>
    %sub3A_36 = arith.subi %get3A_33, %get3A_35 : i32
    %max3A_37 = arith.maxsi %max3A_31, %sub3A_36 : i32
    %get3A_38 = arith.constant 8 : index
    %get3A_39 = memref.load %arg0[%get3A_38] : memref<17xi32, #tpu.memory_space<smem>>
    %get3A_40 = arith.constant 7 : index
    %get3A_41 = memref.load %arg0[%get3A_40] : memref<17xi32, #tpu.memory_space<smem>>
    %sub3A_42 = arith.subi %get3A_39, %get3A_41 : i32
    %max3A_43 = arith.maxsi %max3A_37, %sub3A_42 : i32
    %get3A_44 = arith.constant 9 : index
    %get3A_45 = memref.load %arg0[%get3A_44] : memref<17xi32, #tpu.memory_space<smem>>
    %get3A_46 = arith.constant 8 : index
    %get3A_47 = memref.load %arg0[%get3A_46] : memref<17xi32, #tpu.memory_space<smem>>
    %sub3A_48 = arith.subi %get3A_45, %get3A_47 : i32
    %max3A_49 = arith.maxsi %max3A_43, %sub3A_48 : i32
    %get3A_50 = arith.constant 10 : index
    %get3A_51 = memref.load %arg0[%get3A_50] : memref<17xi32, #tpu.memory_space<smem>>
    %get3A_52 = arith.constant 9 : index
    %get3A_53 = memref.load %arg0[%get3A_52] : memref<17xi32, #tpu.memory_space<smem>>
    %sub3A_54 = arith.subi %get3A_51, %get3A_53 : i32
    %max3A_55 = arith.maxsi %max3A_49, %sub3A_54 : i32
    %get3A_56 = arith.constant 11 : index
    %get3A_57 = memref.load %arg0[%get3A_56] : memref<17xi32, #tpu.memory_space<smem>>
    %get3A_58 = arith.constant 10 : index
    %get3A_59 = memref.load %arg0[%get3A_58] : memref<17xi32, #tpu.memory_space<smem>>
    %sub3A_60 = arith.subi %get3A_57, %get3A_59 : i32
    %max3A_61 = arith.maxsi %max3A_55, %sub3A_60 : i32
    %get3A_62 = arith.constant 12 : index
    %get3A_63 = memref.load %arg0[%get3A_62] : memref<17xi32, #tpu.memory_space<smem>>
    %get3A_64 = arith.constant 11 : index
    %get3A_65 = memref.load %arg0[%get3A_64] : memref<17xi32, #tpu.memory_space<smem>>
    %sub3A_66 = arith.subi %get3A_63, %get3A_65 : i32
    %max3A_67 = arith.maxsi %max3A_61, %sub3A_66 : i32
    %get3A_68 = arith.constant 13 : index
    %get3A_69 = memref.load %arg0[%get3A_68] : memref<17xi32, #tpu.memory_space<smem>>
    %get3A_70 = arith.constant 12 : index
    %get3A_71 = memref.load %arg0[%get3A_70] : memref<17xi32, #tpu.memory_space<smem>>
    %sub3A_72 = arith.subi %get3A_69, %get3A_71 : i32
    %max3A_73 = arith.maxsi %max3A_67, %sub3A_72 : i32
    %get3A_74 = arith.constant 14 : index
    %get3A_75 = memref.load %arg0[%get3A_74] : memref<17xi32, #tpu.memory_space<smem>>
    %get3A_76 = arith.constant 13 : index
    %get3A_77 = memref.load %arg0[%get3A_76] : memref<17xi32, #tpu.memory_space<smem>>
    %sub3A_78 = arith.subi %get3A_75, %get3A_77 : i32
    %max3A_79 = arith.maxsi %max3A_73, %sub3A_78 : i32
    %get3A_80 = arith.constant 15 : index
    %get3A_81 = memref.load %arg0[%get3A_80] : memref<17xi32, #tpu.memory_space<smem>>
    %get3A_82 = arith.constant 14 : index
    %get3A_83 = memref.load %arg0[%get3A_82] : memref<17xi32, #tpu.memory_space<smem>>
    %sub3A_84 = arith.subi %get3A_81, %get3A_83 : i32
    %max3A_85 = arith.maxsi %max3A_79, %sub3A_84 : i32
    %get3A_86 = arith.constant 16 : index
    %get3A_87 = memref.load %arg0[%get3A_86] : memref<17xi32, #tpu.memory_space<smem>>
    %get3A_88 = arith.constant 15 : index
    %get3A_89 = memref.load %arg0[%get3A_88] : memref<17xi32, #tpu.memory_space<smem>>
    %sub3A_90 = arith.subi %get3A_87, %get3A_89 : i32
    %max3A_91 = arith.maxsi %max3A_85, %sub3A_90 : i32
    %convert_element_type3A = arith.sitofp %max3A_91 : i32 to f32
    %div3A = arith.constant 1.000000e+00 : f32
    %div3A_92 = arith.divf %div3A, %convert_element_type3A : f32
    %get3A_93 = arith.constant 0 : index
    %get3A_94 = arith.constant 0 : index
    %get3A_95 = arith.constant 0 : index
    %get3A_96 = vector.load %arg2[%get3A_93, %get3A_94, %get3A_95] : memref<32x16x64xf32, #tpu.memory_space<vmem>>, vector<32x16x64xf32>
    %reduce_sum3A = arith.constant dense<0.000000e+00> : vector<16x64xf32>
    %reduce_sum3A_97 = vector.multi_reduction <add>, %get3A_96, %reduce_sum3A [0] : vector<32x16x64xf32> to vector<16x64xf32>
    %get3A_98 = arith.constant 0 : index
    %get3A_99 = arith.constant 0 : index
    %get3A_100 = vector.load %arg4[%get3A_98, %get3A_99] : memref<16x64xf32, #tpu.memory_space<vmem>>, vector<16x64xf32>
    %add3A = arith.addf %reduce_sum3A_97, %get3A_100 : vector<16x64xf32>
    %mul3A = vector.broadcast %div3A_92 : f32 to vector<16x64xf32>
    %mul3A_101 = arith.mulf %add3A, %mul3A : vector<16x64xf32>
    %get3A_102 = arith.constant 0 : index
    %get3A_103 = arith.constant 0 : index
    %get3A_104 = vector.load %arg7[%get3A_102, %get3A_103] : memref<64x32xf32, #tpu.memory_space<vmem>>, vector<64x32xf32>
    %dot_general3A = arith.constant dense<0.000000e+00> : vector<16x32xf32>
    %dot_general3A_105 = tpu.matmul %mul3A_101, %get3A_104, %dot_general3A {dimension_numbers = #tpu.dot_dimension_numbers<[1], [0], [0], [1], [0, 0, 1, 1], [], []>, transpose_lhs_hint = false} : vector<16x64xf32>, vector<64x32xf32>, vector<16x32xf32> -> vector<16x32xf32>
    %get3A_106 = arith.constant 0 : index
    %get3A_107 = arith.constant 0 : index
    %get3A_108 = vector.load %arg8[%get3A_106, %get3A_107] : memref<1x32xf32, #tpu.memory_space<vmem>>, vector<1x32xf32>
    %add3A_109 = vector.broadcast %get3A_108 : vector<1x32xf32> to vector<16x32xf32>
    %add3A_110 = arith.addf %dot_general3A_105, %add3A_109 : vector<16x32xf32>
    %get3A_111 = arith.constant 1 : index
    %get3A_112 = memref.load %arg1[%get3A_111] : memref<17xi32, #tpu.memory_space<smem>>
    %get3A_113 = arith.constant 0 : index
    %get3A_114 = memref.load %arg1[%get3A_113] : memref<17xi32, #tpu.memory_space<smem>>
    %sub3A_115 = arith.subi %get3A_112, %get3A_114 : i32
    %get3A_116 = arith.constant 2 : index
    %get3A_117 = memref.load %arg1[%get3A_116] : memref<17xi32, #tpu.memory_space<smem>>
    %get3A_118 = arith.constant 1 : index
    %get3A_119 = memref.load %arg1[%get3A_118] : memref<17xi32, #tpu.memory_space<smem>>
    %sub3A_120 = arith.subi %get3A_117, %get3A_119 : i32
    %max3A_121 = arith.maxsi %sub3A_115, %sub3A_120 : i32
    %get3A_122 = arith.constant 3 : index
    %get3A_123 = memref.load %arg1[%get3A_122] : memref<17xi32, #tpu.memory_space<smem>>
    %get3A_124 = arith.constant 2 : index
    %get3A_125 = memref.load %arg1[%get3A_124] : memref<17xi32, #tpu.memory_space<smem>>
    %sub3A_126 = arith.subi %get3A_123, %get3A_125 : i32
    %max3A_127 = arith.maxsi %max3A_121, %sub3A_126 : i32
    %get3A_128 = arith.constant 4 : index
    %get3A_129 = memref.load %arg1[%get3A_128] : memref<17xi32, #tpu.memory_space<smem>>
    %get3A_130 = arith.constant 3 : index
    %get3A_131 = memref.load %arg1[%get3A_130] : memref<17xi32, #tpu.memory_space<smem>>
    %sub3A_132 = arith.subi %get3A_129, %get3A_131 : i32
    %max3A_133 = arith.maxsi %max3A_127, %sub3A_132 : i32
    %get3A_134 = arith.constant 5 : index
    %get3A_135 = memref.load %arg1[%get3A_134] : memref<17xi32, #tpu.memory_space<smem>>
    %get3A_136 = arith.constant 4 : index
    %get3A_137 = memref.load %arg1[%get3A_136] : memref<17xi32, #tpu.memory_space<smem>>
    %sub3A_138 = arith.subi %get3A_135, %get3A_137 : i32
    %max3A_139 = arith.maxsi %max3A_133, %sub3A_138 : i32
    %get3A_140 = arith.constant 6 : index
    %get3A_141 = memref.load %arg1[%get3A_140] : memref<17xi32, #tpu.memory_space<smem>>
    %get3A_142 = arith.constant 5 : index
    %get3A_143 = memref.load %arg1[%get3A_142] : memref<17xi32, #tpu.memory_space<smem>>
    %sub3A_144 = arith.subi %get3A_141, %get3A_143 : i32
    %max3A_145 = arith.maxsi %max3A_139, %sub3A_144 : i32
    %get3A_146 = arith.constant 7 : index
    %get3A_147 = memref.load %arg1[%get3A_146] : memref<17xi32, #tpu.memory_space<smem>>
    %get3A_148 = arith.constant 6 : index
    %get3A_149 = memref.load %arg1[%get3A_148] : memref<17xi32, #tpu.memory_space<smem>>
    %sub3A_150 = arith.subi %get3A_147, %get3A_149 : i32
    %max3A_151 = arith.maxsi %max3A_145, %sub3A_150 : i32
    %get3A_152 = arith.constant 8 : index
    %get3A_153 = memref.load %arg1[%get3A_152] : memref<17xi32, #tpu.memory_space<smem>>
    %get3A_154 = arith.constant 7 : index
    %get3A_155 = memref.load %arg1[%get3A_154] : memref<17xi32, #tpu.memory_space<smem>>
    %sub3A_156 = arith.subi %get3A_153, %get3A_155 : i32
    %max3A_157 = arith.maxsi %max3A_151, %sub3A_156 : i32
    %get3A_158 = arith.constant 9 : index
    %get3A_159 = memref.load %arg1[%get3A_158] : memref<17xi32, #tpu.memory_space<smem>>
    %get3A_160 = arith.constant 8 : index
    %get3A_161 = memref.load %arg1[%get3A_160] : memref<17xi32, #tpu.memory_space<smem>>
    %sub3A_162 = arith.subi %get3A_159, %get3A_161 : i32
    %max3A_163 = arith.maxsi %max3A_157, %sub3A_162 : i32
    %get3A_164 = arith.constant 10 : index
    %get3A_165 = memref.load %arg1[%get3A_164] : memref<17xi32, #tpu.memory_space<smem>>
    %get3A_166 = arith.constant 9 : index
    %get3A_167 = memref.load %arg1[%get3A_166] : memref<17xi32, #tpu.memory_space<smem>>
    %sub3A_168 = arith.subi %get3A_165, %get3A_167 : i32
    %max3A_169 = arith.maxsi %max3A_163, %sub3A_168 : i32
    %get3A_170 = arith.constant 11 : index
    %get3A_171 = memref.load %arg1[%get3A_170] : memref<17xi32, #tpu.memory_space<smem>>
    %get3A_172 = arith.constant 10 : index
    %get3A_173 = memref.load %arg1[%get3A_172] : memref<17xi32, #tpu.memory_space<smem>>
    %sub3A_174 = arith.subi %get3A_171, %get3A_173 : i32
    %max3A_175 = arith.maxsi %max3A_169, %sub3A_174 : i32
    %get3A_176 = arith.constant 12 : index
    %get3A_177 = memref.load %arg1[%get3A_176] : memref<17xi32, #tpu.memory_space<smem>>
    %get3A_178 = arith.constant 11 : index
    %get3A_179 = memref.load %arg1[%get3A_178] : memref<17xi32, #tpu.memory_space<smem>>
    %sub3A_180 = arith.subi %get3A_177, %get3A_179 : i32
    %max3A_181 = arith.maxsi %max3A_175, %sub3A_180 : i32
    %get3A_182 = arith.constant 13 : index
    %get3A_183 = memref.load %arg1[%get3A_182] : memref<17xi32, #tpu.memory_space<smem>>
    %get3A_184 = arith.constant 12 : index
    %get3A_185 = memref.load %arg1[%get3A_184] : memref<17xi32, #tpu.memory_space<smem>>
    %sub3A_186 = arith.subi %get3A_183, %get3A_185 : i32
    %max3A_187 = arith.maxsi %max3A_181, %sub3A_186 : i32
    %get3A_188 = arith.constant 14 : index
    %get3A_189 = memref.load %arg1[%get3A_188] : memref<17xi32, #tpu.memory_space<smem>>
    %get3A_190 = arith.constant 13 : index
    %get3A_191 = memref.load %arg1[%get3A_190] : memref<17xi32, #tpu.memory_space<smem>>
    %sub3A_192 = arith.subi %get3A_189, %get3A_191 : i32
    %max3A_193 = arith.maxsi %max3A_187, %sub3A_192 : i32
    %get3A_194 = arith.constant 15 : index
    %get3A_195 = memref.load %arg1[%get3A_194] : memref<17xi32, #tpu.memory_space<smem>>
    %get3A_196 = arith.constant 14 : index
    %get3A_197 = memref.load %arg1[%get3A_196] : memref<17xi32, #tpu.memory_space<smem>>
    %sub3A_198 = arith.subi %get3A_195, %get3A_197 : i32
    %max3A_199 = arith.maxsi %max3A_193, %sub3A_198 : i32
    %get3A_200 = arith.constant 16 : index
    %get3A_201 = memref.load %arg1[%get3A_200] : memref<17xi32, #tpu.memory_space<smem>>
    %get3A_202 = arith.constant 15 : index
    %get3A_203 = memref.load %arg1[%get3A_202] : memref<17xi32, #tpu.memory_space<smem>>
    %sub3A_204 = arith.subi %get3A_201, %get3A_203 : i32
    %max3A_205 = arith.maxsi %max3A_199, %sub3A_204 : i32
    %convert_element_type3A_206 = arith.sitofp %max3A_205 : i32 to f32
    %div3A_207 = arith.constant 1.000000e+00 : f32
    %div3A_208 = arith.divf %div3A_207, %convert_element_type3A_206 : f32
    %get3A_209 = arith.constant 0 : index
    %get3A_210 = arith.constant 0 : index
    %get3A_211 = arith.constant 0 : index
    %get3A_212 = vector.load %arg3[%get3A_209, %get3A_210, %get3A_211] : memref<32x16x64xf32, #tpu.memory_space<vmem>>, vector<32x16x64xf32>
    %reduce_sum3A_213 = arith.constant dense<0.000000e+00> : vector<16x64xf32>
    %reduce_sum3A_214 = vector.multi_reduction <add>, %get3A_212, %reduce_sum3A_213 [0] : vector<32x16x64xf32> to vector<16x64xf32>
    %get3A_215 = arith.constant 0 : index
    %get3A_216 = arith.constant 0 : index
    %get3A_217 = vector.load %arg5[%get3A_215, %get3A_216] : memref<16x64xf32, #tpu.memory_space<vmem>>, vector<16x64xf32>
    %add3A_218 = arith.addf %reduce_sum3A_214, %get3A_217 : vector<16x64xf32>
    %mul3A_219 = vector.broadcast %div3A_208 : f32 to vector<16x64xf32>
    %mul3A_220 = arith.mulf %add3A_218, %mul3A_219 : vector<16x64xf32>
    %get3A_221 = arith.constant 0 : index
    %get3A_222 = arith.constant 0 : index
    %get3A_223 = vector.load %arg9[%get3A_221, %get3A_222] : memref<64x32xf32, #tpu.memory_space<vmem>>, vector<64x32xf32>
    %dot_general3A_224 = arith.constant dense<0.000000e+00> : vector<16x32xf32>
    %dot_general3A_225 = tpu.matmul %mul3A_220, %get3A_223, %dot_general3A_224 {dimension_numbers = #tpu.dot_dimension_numbers<[1], [0], [0], [1], [0, 0, 1, 1], [], []>, transpose_lhs_hint = false} : vector<16x64xf32>, vector<64x32xf32>, vector<16x32xf32> -> vector<16x32xf32>
    %get3A_226 = arith.constant 0 : index
    %get3A_227 = arith.constant 0 : index
    %get3A_228 = vector.load %arg10[%get3A_226, %get3A_227] : memref<1x32xf32, #tpu.memory_space<vmem>>, vector<1x32xf32>
    %add3A_229 = vector.broadcast %get3A_228 : vector<1x32xf32> to vector<16x32xf32>
    %add3A_230 = arith.addf %dot_general3A_225, %add3A_229 : vector<16x32xf32>
    %get3A_231 = arith.constant 0 : index
    %get3A_232 = arith.constant 0 : index
    %get3A_233 = vector.load %arg6[%get3A_231, %get3A_232] : memref<16x8xf32, #tpu.memory_space<vmem>>, vector<16x8xf32>
    %concatenate3A = tpu.concatenate %add3A_110, %add3A_230, %get3A_233 in 1 : vector<16x32xf32>, vector<16x32xf32>, vector<16x8xf32> -> vector<16x72xf32>
    %swap3A = arith.constant 0 : index
    %swap3A_234 = arith.constant 0 : index
    %swap3A_235 = vector.load %arg11[%swap3A, %swap3A_234] : memref<16x72xf32, #tpu.memory_space<vmem>>, vector<16x72xf32>
    tpu.vector_store %arg11[%swap3A, %swap3A_234], %concatenate3A {strides = array<i32>} : memref<16x72xf32, #tpu.memory_space<vmem>>, vector<16x72xf32>,
    return
  }
}

module attributes {stable_mosaic.version = 14 : i64} {
  func.func @_tc_body(%arg0: i32, %arg1: memref<17xi32, #tpu.memory_space<smem>>, %arg2: memref<17xi32, #tpu.memory_space<smem>>, %arg3: memref<64x2048xf32, #tpu.memory_space<vmem>>, %arg4: memref<64x2048xf32, #tpu.memory_space<vmem>>, %arg5: memref<16x64xf32, #tpu.memory_space<vmem>>, %arg6: memref<16x64xf32, #tpu.memory_space<vmem>>, %arg7: memref<16x64xf32, #tpu.memory_space<vmem>>, %arg8: memref<16x64xf32, #tpu.memory_space<vmem>>) attributes {dimension_semantics = [#tpu.dimension_semantics<arbitrary>], iteration_bounds = array<i64: 6>, scalar_prefetch = 0 : i64, scratch_operands = 2 : i64, tpu.core_type = #tpu.core_type<tc>, window_params = [{transform_indices = @transform_0, window_bounds = array<i64: 17>}, {transform_indices = @transform_1, window_bounds = array<i64: 17>}, {transform_indices = @transform_2, window_bounds = array<i64: 64, 2048>}, {transform_indices = @transform_3, window_bounds = array<i64: 64, 2048>}, {pipeline_mode = #tpu.pipeline_mode<synchronous>, transform_indices = @transform_4, window_bounds = array<i64: 16, 64>}, {pipeline_mode = #tpu.pipeline_mode<synchronous>, transform_indices = @transform_5, window_bounds = array<i64: 16, 64>}]} {
    %mul3A = arith.constant 2048 : i32
    %mul3A_0 = arith.muli %arg0, %mul3A : i32
    %add3A = arith.constant 4096 : i32
    %add3A_1 = arith.addi %add3A, %mul3A_0 : i32
    %iota3A = tpu.iota {dimensions = array<i32: 1>} : vector<16x2048xi32>
    %add3A_2 = vector.broadcast %add3A_1 : i32 to vector<16x2048xi32>
    %add3A_3 = arith.addi %add3A_2, %iota3A : vector<16x2048xi32>
    %iota3A_4 = tpu.iota {dimensions = array<i32: 0>} : vector<16x1xi32>
    %broadcast_in_dim3A = arith.constant 0 : i32
    %broadcast_in_dim3A_5 = vector.broadcast %broadcast_in_dim3A : i32 to vector<16x1xi32>
    %eq3A = arith.constant 0 : i32
    %eq3A_6 = vector.broadcast %eq3A : i32 to vector<16x1xi32>
    %eq3A_7 = arith.cmpi eq, %iota3A_4, %eq3A_6 : vector<16x1xi32>
    %get3A = arith.constant 0 : index
    %get3A_8 = memref.load %arg1[%get3A] : memref<17xi32, #tpu.memory_space<smem>>
    %broadcast_in_dim3A_9 = vector.broadcast %get3A_8 : i32 to vector<16x1xi32>
    %select_n3A = arith.select %eq3A_7, %broadcast_in_dim3A_9, %broadcast_in_dim3A_5 : vector<16x1xi1>, vector<16x1xi32>
    %eq3A_10 = arith.constant 0 : i32
    %eq3A_11 = vector.broadcast %eq3A_10 : i32 to vector<16x1xi32>
    %eq3A_12 = arith.cmpi eq, %iota3A_4, %eq3A_11 : vector<16x1xi32>
    %get3A_13 = arith.constant 1 : index
    %get3A_14 = memref.load %arg1[%get3A_13] : memref<17xi32, #tpu.memory_space<smem>>
    %broadcast_in_dim3A_15 = vector.broadcast %get3A_14 : i32 to vector<16x1xi32>
    %select_n3A_16 = arith.select %eq3A_12, %broadcast_in_dim3A_15, %broadcast_in_dim3A_5 : vector<16x1xi1>, vector<16x1xi32>
    %eq3A_17 = arith.constant 0 : i32
    %eq3A_18 = vector.broadcast %eq3A_17 : i32 to vector<16x1xi32>
    %eq3A_19 = arith.cmpi eq, %iota3A_4, %eq3A_18 : vector<16x1xi32>
    %get3A_20 = arith.constant 0 : index
    %get3A_21 = memref.load %arg2[%get3A_20] : memref<17xi32, #tpu.memory_space<smem>>
    %broadcast_in_dim3A_22 = vector.broadcast %get3A_21 : i32 to vector<16x1xi32>
    %select_n3A_23 = arith.select %eq3A_19, %broadcast_in_dim3A_22, %broadcast_in_dim3A_5 : vector<16x1xi1>, vector<16x1xi32>
    %eq3A_24 = arith.constant 0 : i32
    %eq3A_25 = vector.broadcast %eq3A_24 : i32 to vector<16x1xi32>
    %eq3A_26 = arith.cmpi eq, %iota3A_4, %eq3A_25 : vector<16x1xi32>
    %get3A_27 = arith.constant 1 : index
    %get3A_28 = memref.load %arg2[%get3A_27] : memref<17xi32, #tpu.memory_space<smem>>
    %broadcast_in_dim3A_29 = vector.broadcast %get3A_28 : i32 to vector<16x1xi32>
    %select_n3A_30 = arith.select %eq3A_26, %broadcast_in_dim3A_29, %broadcast_in_dim3A_5 : vector<16x1xi1>, vector<16x1xi32>
    %eq3A_31 = arith.constant 1 : i32
    %eq3A_32 = vector.broadcast %eq3A_31 : i32 to vector<16x1xi32>
    %eq3A_33 = arith.cmpi eq, %iota3A_4, %eq3A_32 : vector<16x1xi32>
    %get3A_34 = arith.constant 1 : index
    %get3A_35 = memref.load %arg1[%get3A_34] : memref<17xi32, #tpu.memory_space<smem>>
    %broadcast_in_dim3A_36 = vector.broadcast %get3A_35 : i32 to vector<16x1xi32>
    %select_n3A_37 = arith.select %eq3A_33, %broadcast_in_dim3A_36, %select_n3A : vector<16x1xi1>, vector<16x1xi32>
    %eq3A_38 = arith.constant 1 : i32
    %eq3A_39 = vector.broadcast %eq3A_38 : i32 to vector<16x1xi32>
    %eq3A_40 = arith.cmpi eq, %iota3A_4, %eq3A_39 : vector<16x1xi32>
    %get3A_41 = arith.constant 2 : index
    %get3A_42 = memref.load %arg1[%get3A_41] : memref<17xi32, #tpu.memory_space<smem>>
    %broadcast_in_dim3A_43 = vector.broadcast %get3A_42 : i32 to vector<16x1xi32>
    %select_n3A_44 = arith.select %eq3A_40, %broadcast_in_dim3A_43, %select_n3A_16 : vector<16x1xi1>, vector<16x1xi32>
    %eq3A_45 = arith.constant 1 : i32
    %eq3A_46 = vector.broadcast %eq3A_45 : i32 to vector<16x1xi32>
    %eq3A_47 = arith.cmpi eq, %iota3A_4, %eq3A_46 : vector<16x1xi32>
    %get3A_48 = arith.constant 1 : index
    %get3A_49 = memref.load %arg2[%get3A_48] : memref<17xi32, #tpu.memory_space<smem>>
    %broadcast_in_dim3A_50 = vector.broadcast %get3A_49 : i32 to vector<16x1xi32>
    %select_n3A_51 = arith.select %eq3A_47, %broadcast_in_dim3A_50, %select_n3A_23 : vector<16x1xi1>, vector<16x1xi32>
    %eq3A_52 = arith.constant 1 : i32
    %eq3A_53 = vector.broadcast %eq3A_52 : i32 to vector<16x1xi32>
    %eq3A_54 = arith.cmpi eq, %iota3A_4, %eq3A_53 : vector<16x1xi32>
    %get3A_55 = arith.constant 2 : index
    %get3A_56 = memref.load %arg2[%get3A_55] : memref<17xi32, #tpu.memory_space<smem>>
    %broadcast_in_dim3A_57 = vector.broadcast %get3A_56 : i32 to vector<16x1xi32>
    %select_n3A_58 = arith.select %eq3A_54, %broadcast_in_dim3A_57, %select_n3A_30 : vector<16x1xi1>, vector<16x1xi32>
    %eq3A_59 = arith.constant 2 : i32
    %eq3A_60 = vector.broadcast %eq3A_59 : i32 to vector<16x1xi32>
    %eq3A_61 = arith.cmpi eq, %iota3A_4, %eq3A_60 : vector<16x1xi32>
    %get3A_62 = arith.constant 2 : index
    %get3A_63 = memref.load %arg1[%get3A_62] : memref<17xi32, #tpu.memory_space<smem>>
    %broadcast_in_dim3A_64 = vector.broadcast %get3A_63 : i32 to vector<16x1xi32>
    %select_n3A_65 = arith.select %eq3A_61, %broadcast_in_dim3A_64, %select_n3A_37 : vector<16x1xi1>, vector<16x1xi32>
    %eq3A_66 = arith.constant 2 : i32
    %eq3A_67 = vector.broadcast %eq3A_66 : i32 to vector<16x1xi32>
    %eq3A_68 = arith.cmpi eq, %iota3A_4, %eq3A_67 : vector<16x1xi32>
    %get3A_69 = arith.constant 3 : index
    %get3A_70 = memref.load %arg1[%get3A_69] : memref<17xi32, #tpu.memory_space<smem>>
    %broadcast_in_dim3A_71 = vector.broadcast %get3A_70 : i32 to vector<16x1xi32>
    %select_n3A_72 = arith.select %eq3A_68, %broadcast_in_dim3A_71, %select_n3A_44 : vector<16x1xi1>, vector<16x1xi32>
    %eq3A_73 = arith.constant 2 : i32
    %eq3A_74 = vector.broadcast %eq3A_73 : i32 to vector<16x1xi32>
    %eq3A_75 = arith.cmpi eq, %iota3A_4, %eq3A_74 : vector<16x1xi32>
    %get3A_76 = arith.constant 2 : index
    %get3A_77 = memref.load %arg2[%get3A_76] : memref<17xi32, #tpu.memory_space<smem>>
    %broadcast_in_dim3A_78 = vector.broadcast %get3A_77 : i32 to vector<16x1xi32>
    %select_n3A_79 = arith.select %eq3A_75, %broadcast_in_dim3A_78, %select_n3A_51 : vector<16x1xi1>, vector<16x1xi32>
    %eq3A_80 = arith.constant 2 : i32
    %eq3A_81 = vector.broadcast %eq3A_80 : i32 to vector<16x1xi32>
    %eq3A_82 = arith.cmpi eq, %iota3A_4, %eq3A_81 : vector<16x1xi32>
    %get3A_83 = arith.constant 3 : index
    %get3A_84 = memref.load %arg2[%get3A_83] : memref<17xi32, #tpu.memory_space<smem>>
    %broadcast_in_dim3A_85 = vector.broadcast %get3A_84 : i32 to vector<16x1xi32>
    %select_n3A_86 = arith.select %eq3A_82, %broadcast_in_dim3A_85, %select_n3A_58 : vector<16x1xi1>, vector<16x1xi32>
    %eq3A_87 = arith.constant 3 : i32
    %eq3A_88 = vector.broadcast %eq3A_87 : i32 to vector<16x1xi32>
    %eq3A_89 = arith.cmpi eq, %iota3A_4, %eq3A_88 : vector<16x1xi32>
    %get3A_90 = arith.constant 3 : index
    %get3A_91 = memref.load %arg1[%get3A_90] : memref<17xi32, #tpu.memory_space<smem>>
    %broadcast_in_dim3A_92 = vector.broadcast %get3A_91 : i32 to vector<16x1xi32>
    %select_n3A_93 = arith.select %eq3A_89, %broadcast_in_dim3A_92, %select_n3A_65 : vector<16x1xi1>, vector<16x1xi32>
    %eq3A_94 = arith.constant 3 : i32
    %eq3A_95 = vector.broadcast %eq3A_94 : i32 to vector<16x1xi32>
    %eq3A_96 = arith.cmpi eq, %iota3A_4, %eq3A_95 : vector<16x1xi32>
    %get3A_97 = arith.constant 4 : index
    %get3A_98 = memref.load %arg1[%get3A_97] : memref<17xi32, #tpu.memory_space<smem>>
    %broadcast_in_dim3A_99 = vector.broadcast %get3A_98 : i32 to vector<16x1xi32>
    %select_n3A_100 = arith.select %eq3A_96, %broadcast_in_dim3A_99, %select_n3A_72 : vector<16x1xi1>, vector<16x1xi32>
    %eq3A_101 = arith.constant 3 : i32
    %eq3A_102 = vector.broadcast %eq3A_101 : i32 to vector<16x1xi32>
    %eq3A_103 = arith.cmpi eq, %iota3A_4, %eq3A_102 : vector<16x1xi32>
    %get3A_104 = arith.constant 3 : index
    %get3A_105 = memref.load %arg2[%get3A_104] : memref<17xi32, #tpu.memory_space<smem>>
    %broadcast_in_dim3A_106 = vector.broadcast %get3A_105 : i32 to vector<16x1xi32>
    %select_n3A_107 = arith.select %eq3A_103, %broadcast_in_dim3A_106, %select_n3A_79 : vector<16x1xi1>, vector<16x1xi32>
    %eq3A_108 = arith.constant 3 : i32
    %eq3A_109 = vector.broadcast %eq3A_108 : i32 to vector<16x1xi32>
    %eq3A_110 = arith.cmpi eq, %iota3A_4, %eq3A_109 : vector<16x1xi32>
    %get3A_111 = arith.constant 4 : index
    %get3A_112 = memref.load %arg2[%get3A_111] : memref<17xi32, #tpu.memory_space<smem>>
    %broadcast_in_dim3A_113 = vector.broadcast %get3A_112 : i32 to vector<16x1xi32>
    %select_n3A_114 = arith.select %eq3A_110, %broadcast_in_dim3A_113, %select_n3A_86 : vector<16x1xi1>, vector<16x1xi32>
    %eq3A_115 = arith.constant 4 : i32
    %eq3A_116 = vector.broadcast %eq3A_115 : i32 to vector<16x1xi32>
    %eq3A_117 = arith.cmpi eq, %iota3A_4, %eq3A_116 : vector<16x1xi32>
    %get3A_118 = arith.constant 4 : index
    %get3A_119 = memref.load %arg1[%get3A_118] : memref<17xi32, #tpu.memory_space<smem>>
    %broadcast_in_dim3A_120 = vector.broadcast %get3A_119 : i32 to vector<16x1xi32>
    %select_n3A_121 = arith.select %eq3A_117, %broadcast_in_dim3A_120, %select_n3A_93 : vector<16x1xi1>, vector<16x1xi32>
    %eq3A_122 = arith.constant 4 : i32
    %eq3A_123 = vector.broadcast %eq3A_122 : i32 to vector<16x1xi32>
    %eq3A_124 = arith.cmpi eq, %iota3A_4, %eq3A_123 : vector<16x1xi32>
    %get3A_125 = arith.constant 5 : index
    %get3A_126 = memref.load %arg1[%get3A_125] : memref<17xi32, #tpu.memory_space<smem>>
    %broadcast_in_dim3A_127 = vector.broadcast %get3A_126 : i32 to vector<16x1xi32>
    %select_n3A_128 = arith.select %eq3A_124, %broadcast_in_dim3A_127, %select_n3A_100 : vector<16x1xi1>, vector<16x1xi32>
    %eq3A_129 = arith.constant 4 : i32
    %eq3A_130 = vector.broadcast %eq3A_129 : i32 to vector<16x1xi32>
    %eq3A_131 = arith.cmpi eq, %iota3A_4, %eq3A_130 : vector<16x1xi32>
    %get3A_132 = arith.constant 4 : index
    %get3A_133 = memref.load %arg2[%get3A_132] : memref<17xi32, #tpu.memory_space<smem>>
    %broadcast_in_dim3A_134 = vector.broadcast %get3A_133 : i32 to vector<16x1xi32>
    %select_n3A_135 = arith.select %eq3A_131, %broadcast_in_dim3A_134, %select_n3A_107 : vector<16x1xi1>, vector<16x1xi32>
    %eq3A_136 = arith.constant 4 : i32
    %eq3A_137 = vector.broadcast %eq3A_136 : i32 to vector<16x1xi32>
    %eq3A_138 = arith.cmpi eq, %iota3A_4, %eq3A_137 : vector<16x1xi32>
    %get3A_139 = arith.constant 5 : index
    %get3A_140 = memref.load %arg2[%get3A_139] : memref<17xi32, #tpu.memory_space<smem>>
    %broadcast_in_dim3A_141 = vector.broadcast %get3A_140 : i32 to vector<16x1xi32>
    %select_n3A_142 = arith.select %eq3A_138, %broadcast_in_dim3A_141, %select_n3A_114 : vector<16x1xi1>, vector<16x1xi32>
    %eq3A_143 = arith.constant 5 : i32
    %eq3A_144 = vector.broadcast %eq3A_143 : i32 to vector<16x1xi32>
    %eq3A_145 = arith.cmpi eq, %iota3A_4, %eq3A_144 : vector<16x1xi32>
    %get3A_146 = arith.constant 5 : index
    %get3A_147 = memref.load %arg1[%get3A_146] : memref<17xi32, #tpu.memory_space<smem>>
    %broadcast_in_dim3A_148 = vector.broadcast %get3A_147 : i32 to vector<16x1xi32>
    %select_n3A_149 = arith.select %eq3A_145, %broadcast_in_dim3A_148, %select_n3A_121 : vector<16x1xi1>, vector<16x1xi32>
    %eq3A_150 = arith.constant 5 : i32
    %eq3A_151 = vector.broadcast %eq3A_150 : i32 to vector<16x1xi32>
    %eq3A_152 = arith.cmpi eq, %iota3A_4, %eq3A_151 : vector<16x1xi32>
    %get3A_153 = arith.constant 6 : index
    %get3A_154 = memref.load %arg1[%get3A_153] : memref<17xi32, #tpu.memory_space<smem>>
    %broadcast_in_dim3A_155 = vector.broadcast %get3A_154 : i32 to vector<16x1xi32>
    %select_n3A_156 = arith.select %eq3A_152, %broadcast_in_dim3A_155, %select_n3A_128 : vector<16x1xi1>, vector<16x1xi32>
    %eq3A_157 = arith.constant 5 : i32
    %eq3A_158 = vector.broadcast %eq3A_157 : i32 to vector<16x1xi32>
    %eq3A_159 = arith.cmpi eq, %iota3A_4, %eq3A_158 : vector<16x1xi32>
    %get3A_160 = arith.constant 5 : index
    %get3A_161 = memref.load %arg2[%get3A_160] : memref<17xi32, #tpu.memory_space<smem>>
    %broadcast_in_dim3A_162 = vector.broadcast %get3A_161 : i32 to vector<16x1xi32>
    %select_n3A_163 = arith.select %eq3A_159, %broadcast_in_dim3A_162, %select_n3A_135 : vector<16x1xi1>, vector<16x1xi32>
    %eq3A_164 = arith.constant 5 : i32
    %eq3A_165 = vector.broadcast %eq3A_164 : i32 to vector<16x1xi32>
    %eq3A_166 = arith.cmpi eq, %iota3A_4, %eq3A_165 : vector<16x1xi32>
    %get3A_167 = arith.constant 6 : index
    %get3A_168 = memref.load %arg2[%get3A_167] : memref<17xi32, #tpu.memory_space<smem>>
    %broadcast_in_dim3A_169 = vector.broadcast %get3A_168 : i32 to vector<16x1xi32>
    %select_n3A_170 = arith.select %eq3A_166, %broadcast_in_dim3A_169, %select_n3A_142 : vector<16x1xi1>, vector<16x1xi32>
    %eq3A_171 = arith.constant 6 : i32
    %eq3A_172 = vector.broadcast %eq3A_171 : i32 to vector<16x1xi32>
    %eq3A_173 = arith.cmpi eq, %iota3A_4, %eq3A_172 : vector<16x1xi32>
    %get3A_174 = arith.constant 6 : index
    %get3A_175 = memref.load %arg1[%get3A_174] : memref<17xi32, #tpu.memory_space<smem>>
    %broadcast_in_dim3A_176 = vector.broadcast %get3A_175 : i32 to vector<16x1xi32>
    %select_n3A_177 = arith.select %eq3A_173, %broadcast_in_dim3A_176, %select_n3A_149 : vector<16x1xi1>, vector<16x1xi32>
    %eq3A_178 = arith.constant 6 : i32
    %eq3A_179 = vector.broadcast %eq3A_178 : i32 to vector<16x1xi32>
    %eq3A_180 = arith.cmpi eq, %iota3A_4, %eq3A_179 : vector<16x1xi32>
    %get3A_181 = arith.constant 7 : index
    %get3A_182 = memref.load %arg1[%get3A_181] : memref<17xi32, #tpu.memory_space<smem>>
    %broadcast_in_dim3A_183 = vector.broadcast %get3A_182 : i32 to vector<16x1xi32>
    %select_n3A_184 = arith.select %eq3A_180, %broadcast_in_dim3A_183, %select_n3A_156 : vector<16x1xi1>, vector<16x1xi32>
    %eq3A_185 = arith.constant 6 : i32
    %eq3A_186 = vector.broadcast %eq3A_185 : i32 to vector<16x1xi32>
    %eq3A_187 = arith.cmpi eq, %iota3A_4, %eq3A_186 : vector<16x1xi32>
    %get3A_188 = arith.constant 6 : index
    %get3A_189 = memref.load %arg2[%get3A_188] : memref<17xi32, #tpu.memory_space<smem>>
    %broadcast_in_dim3A_190 = vector.broadcast %get3A_189 : i32 to vector<16x1xi32>
    %select_n3A_191 = arith.select %eq3A_187, %broadcast_in_dim3A_190, %select_n3A_163 : vector<16x1xi1>, vector<16x1xi32>
    %eq3A_192 = arith.constant 6 : i32
    %eq3A_193 = vector.broadcast %eq3A_192 : i32 to vector<16x1xi32>
    %eq3A_194 = arith.cmpi eq, %iota3A_4, %eq3A_193 : vector<16x1xi32>
    %get3A_195 = arith.constant 7 : index
    %get3A_196 = memref.load %arg2[%get3A_195] : memref<17xi32, #tpu.memory_space<smem>>
    %broadcast_in_dim3A_197 = vector.broadcast %get3A_196 : i32 to vector<16x1xi32>
    %select_n3A_198 = arith.select %eq3A_194, %broadcast_in_dim3A_197, %select_n3A_170 : vector<16x1xi1>, vector<16x1xi32>
    %eq3A_199 = arith.constant 7 : i32
    %eq3A_200 = vector.broadcast %eq3A_199 : i32 to vector<16x1xi32>
    %eq3A_201 = arith.cmpi eq, %iota3A_4, %eq3A_200 : vector<16x1xi32>
    %get3A_202 = arith.constant 7 : index
    %get3A_203 = memref.load %arg1[%get3A_202] : memref<17xi32, #tpu.memory_space<smem>>
    %broadcast_in_dim3A_204 = vector.broadcast %get3A_203 : i32 to vector<16x1xi32>
    %select_n3A_205 = arith.select %eq3A_201, %broadcast_in_dim3A_204, %select_n3A_177 : vector<16x1xi1>, vector<16x1xi32>
    %eq3A_206 = arith.constant 7 : i32
    %eq3A_207 = vector.broadcast %eq3A_206 : i32 to vector<16x1xi32>
    %eq3A_208 = arith.cmpi eq, %iota3A_4, %eq3A_207 : vector<16x1xi32>
    %get3A_209 = arith.constant 8 : index
    %get3A_210 = memref.load %arg1[%get3A_209] : memref<17xi32, #tpu.memory_space<smem>>
    %broadcast_in_dim3A_211 = vector.broadcast %get3A_210 : i32 to vector<16x1xi32>
    %select_n3A_212 = arith.select %eq3A_208, %broadcast_in_dim3A_211, %select_n3A_184 : vector<16x1xi1>, vector<16x1xi32>
    %eq3A_213 = arith.constant 7 : i32
    %eq3A_214 = vector.broadcast %eq3A_213 : i32 to vector<16x1xi32>
    %eq3A_215 = arith.cmpi eq, %iota3A_4, %eq3A_214 : vector<16x1xi32>
    %get3A_216 = arith.constant 7 : index
    %get3A_217 = memref.load %arg2[%get3A_216] : memref<17xi32, #tpu.memory_space<smem>>
    %broadcast_in_dim3A_218 = vector.broadcast %get3A_217 : i32 to vector<16x1xi32>
    %select_n3A_219 = arith.select %eq3A_215, %broadcast_in_dim3A_218, %select_n3A_191 : vector<16x1xi1>, vector<16x1xi32>
    %eq3A_220 = arith.constant 7 : i32
    %eq3A_221 = vector.broadcast %eq3A_220 : i32 to vector<16x1xi32>
    %eq3A_222 = arith.cmpi eq, %iota3A_4, %eq3A_221 : vector<16x1xi32>
    %get3A_223 = arith.constant 8 : index
    %get3A_224 = memref.load %arg2[%get3A_223] : memref<17xi32, #tpu.memory_space<smem>>
    %broadcast_in_dim3A_225 = vector.broadcast %get3A_224 : i32 to vector<16x1xi32>
    %select_n3A_226 = arith.select %eq3A_222, %broadcast_in_dim3A_225, %select_n3A_198 : vector<16x1xi1>, vector<16x1xi32>
    %eq3A_227 = arith.constant 8 : i32
    %eq3A_228 = vector.broadcast %eq3A_227 : i32 to vector<16x1xi32>
    %eq3A_229 = arith.cmpi eq, %iota3A_4, %eq3A_228 : vector<16x1xi32>
    %get3A_230 = arith.constant 8 : index
    %get3A_231 = memref.load %arg1[%get3A_230] : memref<17xi32, #tpu.memory_space<smem>>
    %broadcast_in_dim3A_232 = vector.broadcast %get3A_231 : i32 to vector<16x1xi32>
    %select_n3A_233 = arith.select %eq3A_229, %broadcast_in_dim3A_232, %select_n3A_205 : vector<16x1xi1>, vector<16x1xi32>
    %eq3A_234 = arith.constant 8 : i32
    %eq3A_235 = vector.broadcast %eq3A_234 : i32 to vector<16x1xi32>
    %eq3A_236 = arith.cmpi eq, %iota3A_4, %eq3A_235 : vector<16x1xi32>
    %get3A_237 = arith.constant 9 : index
    %get3A_238 = memref.load %arg1[%get3A_237] : memref<17xi32, #tpu.memory_space<smem>>
    %broadcast_in_dim3A_239 = vector.broadcast %get3A_238 : i32 to vector<16x1xi32>
    %select_n3A_240 = arith.select %eq3A_236, %broadcast_in_dim3A_239, %select_n3A_212 : vector<16x1xi1>, vector<16x1xi32>
    %eq3A_241 = arith.constant 8 : i32
    %eq3A_242 = vector.broadcast %eq3A_241 : i32 to vector<16x1xi32>
    %eq3A_243 = arith.cmpi eq, %iota3A_4, %eq3A_242 : vector<16x1xi32>
    %get3A_244 = arith.constant 8 : index
    %get3A_245 = memref.load %arg2[%get3A_244] : memref<17xi32, #tpu.memory_space<smem>>
    %broadcast_in_dim3A_246 = vector.broadcast %get3A_245 : i32 to vector<16x1xi32>
    %select_n3A_247 = arith.select %eq3A_243, %broadcast_in_dim3A_246, %select_n3A_219 : vector<16x1xi1>, vector<16x1xi32>
    %eq3A_248 = arith.constant 8 : i32
    %eq3A_249 = vector.broadcast %eq3A_248 : i32 to vector<16x1xi32>
    %eq3A_250 = arith.cmpi eq, %iota3A_4, %eq3A_249 : vector<16x1xi32>
    %get3A_251 = arith.constant 9 : index
    %get3A_252 = memref.load %arg2[%get3A_251] : memref<17xi32, #tpu.memory_space<smem>>
    %broadcast_in_dim3A_253 = vector.broadcast %get3A_252 : i32 to vector<16x1xi32>
    %select_n3A_254 = arith.select %eq3A_250, %broadcast_in_dim3A_253, %select_n3A_226 : vector<16x1xi1>, vector<16x1xi32>
    %eq3A_255 = arith.constant 9 : i32
    %eq3A_256 = vector.broadcast %eq3A_255 : i32 to vector<16x1xi32>
    %eq3A_257 = arith.cmpi eq, %iota3A_4, %eq3A_256 : vector<16x1xi32>
    %get3A_258 = arith.constant 9 : index
    %get3A_259 = memref.load %arg1[%get3A_258] : memref<17xi32, #tpu.memory_space<smem>>
    %broadcast_in_dim3A_260 = vector.broadcast %get3A_259 : i32 to vector<16x1xi32>
    %select_n3A_261 = arith.select %eq3A_257, %broadcast_in_dim3A_260, %select_n3A_233 : vector<16x1xi1>, vector<16x1xi32>
    %eq3A_262 = arith.constant 9 : i32
    %eq3A_263 = vector.broadcast %eq3A_262 : i32 to vector<16x1xi32>
    %eq3A_264 = arith.cmpi eq, %iota3A_4, %eq3A_263 : vector<16x1xi32>
    %get3A_265 = arith.constant 10 : index
    %get3A_266 = memref.load %arg1[%get3A_265] : memref<17xi32, #tpu.memory_space<smem>>
    %broadcast_in_dim3A_267 = vector.broadcast %get3A_266 : i32 to vector<16x1xi32>
    %select_n3A_268 = arith.select %eq3A_264, %broadcast_in_dim3A_267, %select_n3A_240 : vector<16x1xi1>, vector<16x1xi32>
    %eq3A_269 = arith.constant 9 : i32
    %eq3A_270 = vector.broadcast %eq3A_269 : i32 to vector<16x1xi32>
    %eq3A_271 = arith.cmpi eq, %iota3A_4, %eq3A_270 : vector<16x1xi32>
    %get3A_272 = arith.constant 9 : index
    %get3A_273 = memref.load %arg2[%get3A_272] : memref<17xi32, #tpu.memory_space<smem>>
    %broadcast_in_dim3A_274 = vector.broadcast %get3A_273 : i32 to vector<16x1xi32>
    %select_n3A_275 = arith.select %eq3A_271, %broadcast_in_dim3A_274, %select_n3A_247 : vector<16x1xi1>, vector<16x1xi32>
    %eq3A_276 = arith.constant 9 : i32
    %eq3A_277 = vector.broadcast %eq3A_276 : i32 to vector<16x1xi32>
    %eq3A_278 = arith.cmpi eq, %iota3A_4, %eq3A_277 : vector<16x1xi32>
    %get3A_279 = arith.constant 10 : index
    %get3A_280 = memref.load %arg2[%get3A_279] : memref<17xi32, #tpu.memory_space<smem>>
    %broadcast_in_dim3A_281 = vector.broadcast %get3A_280 : i32 to vector<16x1xi32>
    %select_n3A_282 = arith.select %eq3A_278, %broadcast_in_dim3A_281, %select_n3A_254 : vector<16x1xi1>, vector<16x1xi32>
    %eq3A_283 = arith.constant 10 : i32
    %eq3A_284 = vector.broadcast %eq3A_283 : i32 to vector<16x1xi32>
    %eq3A_285 = arith.cmpi eq, %iota3A_4, %eq3A_284 : vector<16x1xi32>
    %get3A_286 = arith.constant 10 : index
    %get3A_287 = memref.load %arg1[%get3A_286] : memref<17xi32, #tpu.memory_space<smem>>
    %broadcast_in_dim3A_288 = vector.broadcast %get3A_287 : i32 to vector<16x1xi32>
    %select_n3A_289 = arith.select %eq3A_285, %broadcast_in_dim3A_288, %select_n3A_261 : vector<16x1xi1>, vector<16x1xi32>
    %eq3A_290 = arith.constant 10 : i32
    %eq3A_291 = vector.broadcast %eq3A_290 : i32 to vector<16x1xi32>
    %eq3A_292 = arith.cmpi eq, %iota3A_4, %eq3A_291 : vector<16x1xi32>
    %get3A_293 = arith.constant 11 : index
    %get3A_294 = memref.load %arg1[%get3A_293] : memref<17xi32, #tpu.memory_space<smem>>
    %broadcast_in_dim3A_295 = vector.broadcast %get3A_294 : i32 to vector<16x1xi32>
    %select_n3A_296 = arith.select %eq3A_292, %broadcast_in_dim3A_295, %select_n3A_268 : vector<16x1xi1>, vector<16x1xi32>
    %eq3A_297 = arith.constant 10 : i32
    %eq3A_298 = vector.broadcast %eq3A_297 : i32 to vector<16x1xi32>
    %eq3A_299 = arith.cmpi eq, %iota3A_4, %eq3A_298 : vector<16x1xi32>
    %get3A_300 = arith.constant 10 : index
    %get3A_301 = memref.load %arg2[%get3A_300] : memref<17xi32, #tpu.memory_space<smem>>
    %broadcast_in_dim3A_302 = vector.broadcast %get3A_301 : i32 to vector<16x1xi32>
    %select_n3A_303 = arith.select %eq3A_299, %broadcast_in_dim3A_302, %select_n3A_275 : vector<16x1xi1>, vector<16x1xi32>
    %eq3A_304 = arith.constant 10 : i32
    %eq3A_305 = vector.broadcast %eq3A_304 : i32 to vector<16x1xi32>
    %eq3A_306 = arith.cmpi eq, %iota3A_4, %eq3A_305 : vector<16x1xi32>
    %get3A_307 = arith.constant 11 : index
    %get3A_308 = memref.load %arg2[%get3A_307] : memref<17xi32, #tpu.memory_space<smem>>
    %broadcast_in_dim3A_309 = vector.broadcast %get3A_308 : i32 to vector<16x1xi32>
    %select_n3A_310 = arith.select %eq3A_306, %broadcast_in_dim3A_309, %select_n3A_282 : vector<16x1xi1>, vector<16x1xi32>
    %eq3A_311 = arith.constant 11 : i32
    %eq3A_312 = vector.broadcast %eq3A_311 : i32 to vector<16x1xi32>
    %eq3A_313 = arith.cmpi eq, %iota3A_4, %eq3A_312 : vector<16x1xi32>
    %get3A_314 = arith.constant 11 : index
    %get3A_315 = memref.load %arg1[%get3A_314] : memref<17xi32, #tpu.memory_space<smem>>
    %broadcast_in_dim3A_316 = vector.broadcast %get3A_315 : i32 to vector<16x1xi32>
    %select_n3A_317 = arith.select %eq3A_313, %broadcast_in_dim3A_316, %select_n3A_289 : vector<16x1xi1>, vector<16x1xi32>
    %eq3A_318 = arith.constant 11 : i32
    %eq3A_319 = vector.broadcast %eq3A_318 : i32 to vector<16x1xi32>
    %eq3A_320 = arith.cmpi eq, %iota3A_4, %eq3A_319 : vector<16x1xi32>
    %get3A_321 = arith.constant 12 : index
    %get3A_322 = memref.load %arg1[%get3A_321] : memref<17xi32, #tpu.memory_space<smem>>
    %broadcast_in_dim3A_323 = vector.broadcast %get3A_322 : i32 to vector<16x1xi32>
    %select_n3A_324 = arith.select %eq3A_320, %broadcast_in_dim3A_323, %select_n3A_296 : vector<16x1xi1>, vector<16x1xi32>
    %eq3A_325 = arith.constant 11 : i32
    %eq3A_326 = vector.broadcast %eq3A_325 : i32 to vector<16x1xi32>
    %eq3A_327 = arith.cmpi eq, %iota3A_4, %eq3A_326 : vector<16x1xi32>
    %get3A_328 = arith.constant 11 : index
    %get3A_329 = memref.load %arg2[%get3A_328] : memref<17xi32, #tpu.memory_space<smem>>
    %broadcast_in_dim3A_330 = vector.broadcast %get3A_329 : i32 to vector<16x1xi32>
    %select_n3A_331 = arith.select %eq3A_327, %broadcast_in_dim3A_330, %select_n3A_303 : vector<16x1xi1>, vector<16x1xi32>
    %eq3A_332 = arith.constant 11 : i32
    %eq3A_333 = vector.broadcast %eq3A_332 : i32 to vector<16x1xi32>
    %eq3A_334 = arith.cmpi eq, %iota3A_4, %eq3A_333 : vector<16x1xi32>
    %get3A_335 = arith.constant 12 : index
    %get3A_336 = memref.load %arg2[%get3A_335] : memref<17xi32, #tpu.memory_space<smem>>
    %broadcast_in_dim3A_337 = vector.broadcast %get3A_336 : i32 to vector<16x1xi32>
    %select_n3A_338 = arith.select %eq3A_334, %broadcast_in_dim3A_337, %select_n3A_310 : vector<16x1xi1>, vector<16x1xi32>
    %eq3A_339 = arith.constant 12 : i32
    %eq3A_340 = vector.broadcast %eq3A_339 : i32 to vector<16x1xi32>
    %eq3A_341 = arith.cmpi eq, %iota3A_4, %eq3A_340 : vector<16x1xi32>
    %get3A_342 = arith.constant 12 : index
    %get3A_343 = memref.load %arg1[%get3A_342] : memref<17xi32, #tpu.memory_space<smem>>
    %broadcast_in_dim3A_344 = vector.broadcast %get3A_343 : i32 to vector<16x1xi32>
    %select_n3A_345 = arith.select %eq3A_341, %broadcast_in_dim3A_344, %select_n3A_317 : vector<16x1xi1>, vector<16x1xi32>
    %eq3A_346 = arith.constant 12 : i32
    %eq3A_347 = vector.broadcast %eq3A_346 : i32 to vector<16x1xi32>
    %eq3A_348 = arith.cmpi eq, %iota3A_4, %eq3A_347 : vector<16x1xi32>
    %get3A_349 = arith.constant 13 : index
    %get3A_350 = memref.load %arg1[%get3A_349] : memref<17xi32, #tpu.memory_space<smem>>
    %broadcast_in_dim3A_351 = vector.broadcast %get3A_350 : i32 to vector<16x1xi32>
    %select_n3A_352 = arith.select %eq3A_348, %broadcast_in_dim3A_351, %select_n3A_324 : vector<16x1xi1>, vector<16x1xi32>
    %eq3A_353 = arith.constant 12 : i32
    %eq3A_354 = vector.broadcast %eq3A_353 : i32 to vector<16x1xi32>
    %eq3A_355 = arith.cmpi eq, %iota3A_4, %eq3A_354 : vector<16x1xi32>
    %get3A_356 = arith.constant 12 : index
    %get3A_357 = memref.load %arg2[%get3A_356] : memref<17xi32, #tpu.memory_space<smem>>
    %broadcast_in_dim3A_358 = vector.broadcast %get3A_357 : i32 to vector<16x1xi32>
    %select_n3A_359 = arith.select %eq3A_355, %broadcast_in_dim3A_358, %select_n3A_331 : vector<16x1xi1>, vector<16x1xi32>
    %eq3A_360 = arith.constant 12 : i32
    %eq3A_361 = vector.broadcast %eq3A_360 : i32 to vector<16x1xi32>
    %eq3A_362 = arith.cmpi eq, %iota3A_4, %eq3A_361 : vector<16x1xi32>
    %get3A_363 = arith.constant 13 : index
    %get3A_364 = memref.load %arg2[%get3A_363] : memref<17xi32, #tpu.memory_space<smem>>
    %broadcast_in_dim3A_365 = vector.broadcast %get3A_364 : i32 to vector<16x1xi32>
    %select_n3A_366 = arith.select %eq3A_362, %broadcast_in_dim3A_365, %select_n3A_338 : vector<16x1xi1>, vector<16x1xi32>
    %eq3A_367 = arith.constant 13 : i32
    %eq3A_368 = vector.broadcast %eq3A_367 : i32 to vector<16x1xi32>
    %eq3A_369 = arith.cmpi eq, %iota3A_4, %eq3A_368 : vector<16x1xi32>
    %get3A_370 = arith.constant 13 : index
    %get3A_371 = memref.load %arg1[%get3A_370] : memref<17xi32, #tpu.memory_space<smem>>
    %broadcast_in_dim3A_372 = vector.broadcast %get3A_371 : i32 to vector<16x1xi32>
    %select_n3A_373 = arith.select %eq3A_369, %broadcast_in_dim3A_372, %select_n3A_345 : vector<16x1xi1>, vector<16x1xi32>
    %eq3A_374 = arith.constant 13 : i32
    %eq3A_375 = vector.broadcast %eq3A_374 : i32 to vector<16x1xi32>
    %eq3A_376 = arith.cmpi eq, %iota3A_4, %eq3A_375 : vector<16x1xi32>
    %get3A_377 = arith.constant 14 : index
    %get3A_378 = memref.load %arg1[%get3A_377] : memref<17xi32, #tpu.memory_space<smem>>
    %broadcast_in_dim3A_379 = vector.broadcast %get3A_378 : i32 to vector<16x1xi32>
    %select_n3A_380 = arith.select %eq3A_376, %broadcast_in_dim3A_379, %select_n3A_352 : vector<16x1xi1>, vector<16x1xi32>
    %eq3A_381 = arith.constant 13 : i32
    %eq3A_382 = vector.broadcast %eq3A_381 : i32 to vector<16x1xi32>
    %eq3A_383 = arith.cmpi eq, %iota3A_4, %eq3A_382 : vector<16x1xi32>
    %get3A_384 = arith.constant 13 : index
    %get3A_385 = memref.load %arg2[%get3A_384] : memref<17xi32, #tpu.memory_space<smem>>
    %broadcast_in_dim3A_386 = vector.broadcast %get3A_385 : i32 to vector<16x1xi32>
    %select_n3A_387 = arith.select %eq3A_383, %broadcast_in_dim3A_386, %select_n3A_359 : vector<16x1xi1>, vector<16x1xi32>
    %eq3A_388 = arith.constant 13 : i32
    %eq3A_389 = vector.broadcast %eq3A_388 : i32 to vector<16x1xi32>
    %eq3A_390 = arith.cmpi eq, %iota3A_4, %eq3A_389 : vector<16x1xi32>
    %get3A_391 = arith.constant 14 : index
    %get3A_392 = memref.load %arg2[%get3A_391] : memref<17xi32, #tpu.memory_space<smem>>
    %broadcast_in_dim3A_393 = vector.broadcast %get3A_392 : i32 to vector<16x1xi32>
    %select_n3A_394 = arith.select %eq3A_390, %broadcast_in_dim3A_393, %select_n3A_366 : vector<16x1xi1>, vector<16x1xi32>
    %eq3A_395 = arith.constant 14 : i32
    %eq3A_396 = vector.broadcast %eq3A_395 : i32 to vector<16x1xi32>
    %eq3A_397 = arith.cmpi eq, %iota3A_4, %eq3A_396 : vector<16x1xi32>
    %get3A_398 = arith.constant 14 : index
    %get3A_399 = memref.load %arg1[%get3A_398] : memref<17xi32, #tpu.memory_space<smem>>
    %broadcast_in_dim3A_400 = vector.broadcast %get3A_399 : i32 to vector<16x1xi32>
    %select_n3A_401 = arith.select %eq3A_397, %broadcast_in_dim3A_400, %select_n3A_373 : vector<16x1xi1>, vector<16x1xi32>
    %eq3A_402 = arith.constant 14 : i32
    %eq3A_403 = vector.broadcast %eq3A_402 : i32 to vector<16x1xi32>
    %eq3A_404 = arith.cmpi eq, %iota3A_4, %eq3A_403 : vector<16x1xi32>
    %get3A_405 = arith.constant 15 : index
    %get3A_406 = memref.load %arg1[%get3A_405] : memref<17xi32, #tpu.memory_space<smem>>
    %broadcast_in_dim3A_407 = vector.broadcast %get3A_406 : i32 to vector<16x1xi32>
    %select_n3A_408 = arith.select %eq3A_404, %broadcast_in_dim3A_407, %select_n3A_380 : vector<16x1xi1>, vector<16x1xi32>
    %eq3A_409 = arith.constant 14 : i32
    %eq3A_410 = vector.broadcast %eq3A_409 : i32 to vector<16x1xi32>
    %eq3A_411 = arith.cmpi eq, %iota3A_4, %eq3A_410 : vector<16x1xi32>
    %get3A_412 = arith.constant 14 : index
    %get3A_413 = memref.load %arg2[%get3A_412] : memref<17xi32, #tpu.memory_space<smem>>
    %broadcast_in_dim3A_414 = vector.broadcast %get3A_413 : i32 to vector<16x1xi32>
    %select_n3A_415 = arith.select %eq3A_411, %broadcast_in_dim3A_414, %select_n3A_387 : vector<16x1xi1>, vector<16x1xi32>
    %eq3A_416 = arith.constant 14 : i32
    %eq3A_417 = vector.broadcast %eq3A_416 : i32 to vector<16x1xi32>
    %eq3A_418 = arith.cmpi eq, %iota3A_4, %eq3A_417 : vector<16x1xi32>
    %get3A_419 = arith.constant 15 : index
    %get3A_420 = memref.load %arg2[%get3A_419] : memref<17xi32, #tpu.memory_space<smem>>
    %broadcast_in_dim3A_421 = vector.broadcast %get3A_420 : i32 to vector<16x1xi32>
    %select_n3A_422 = arith.select %eq3A_418, %broadcast_in_dim3A_421, %select_n3A_394 : vector<16x1xi1>, vector<16x1xi32>
    %eq3A_423 = arith.constant 15 : i32
    %eq3A_424 = vector.broadcast %eq3A_423 : i32 to vector<16x1xi32>
    %eq3A_425 = arith.cmpi eq, %iota3A_4, %eq3A_424 : vector<16x1xi32>
    %get3A_426 = arith.constant 15 : index
    %get3A_427 = memref.load %arg1[%get3A_426] : memref<17xi32, #tpu.memory_space<smem>>
    %broadcast_in_dim3A_428 = vector.broadcast %get3A_427 : i32 to vector<16x1xi32>
    %select_n3A_429 = arith.select %eq3A_425, %broadcast_in_dim3A_428, %select_n3A_401 : vector<16x1xi1>, vector<16x1xi32>
    %eq3A_430 = arith.constant 15 : i32
    %eq3A_431 = vector.broadcast %eq3A_430 : i32 to vector<16x1xi32>
    %eq3A_432 = arith.cmpi eq, %iota3A_4, %eq3A_431 : vector<16x1xi32>
    %get3A_433 = arith.constant 16 : index
    %get3A_434 = memref.load %arg1[%get3A_433] : memref<17xi32, #tpu.memory_space<smem>>
    %broadcast_in_dim3A_435 = vector.broadcast %get3A_434 : i32 to vector<16x1xi32>
    %select_n3A_436 = arith.select %eq3A_432, %broadcast_in_dim3A_435, %select_n3A_408 : vector<16x1xi1>, vector<16x1xi32>
    %eq3A_437 = arith.constant 15 : i32
    %eq3A_438 = vector.broadcast %eq3A_437 : i32 to vector<16x1xi32>
    %eq3A_439 = arith.cmpi eq, %iota3A_4, %eq3A_438 : vector<16x1xi32>
    %get3A_440 = arith.constant 15 : index
    %get3A_441 = memref.load %arg2[%get3A_440] : memref<17xi32, #tpu.memory_space<smem>>
    %broadcast_in_dim3A_442 = vector.broadcast %get3A_441 : i32 to vector<16x1xi32>
    %select_n3A_443 = arith.select %eq3A_439, %broadcast_in_dim3A_442, %select_n3A_415 : vector<16x1xi1>, vector<16x1xi32>
    %eq3A_444 = arith.constant 15 : i32
    %eq3A_445 = vector.broadcast %eq3A_444 : i32 to vector<16x1xi32>
    %eq3A_446 = arith.cmpi eq, %iota3A_4, %eq3A_445 : vector<16x1xi32>
    %get3A_447 = arith.constant 16 : index
    %get3A_448 = memref.load %arg2[%get3A_447] : memref<17xi32, #tpu.memory_space<smem>>
    %broadcast_in_dim3A_449 = vector.broadcast %get3A_448 : i32 to vector<16x1xi32>
    %select_n3A_450 = arith.select %eq3A_446, %broadcast_in_dim3A_449, %select_n3A_422 : vector<16x1xi1>, vector<16x1xi32>
    %ge3A = vector.broadcast %select_n3A_429 : vector<16x1xi32> to vector<16x2048xi32>
    %ge3A_451 = arith.cmpi sge, %add3A_3, %ge3A : vector<16x2048xi32>
    %lt3A = vector.broadcast %select_n3A_436 : vector<16x1xi32> to vector<16x2048xi32>
    %lt3A_452 = arith.cmpi slt, %add3A_3, %lt3A : vector<16x2048xi32>
    %and3A = arith.andi %ge3A_451, %lt3A_452 : vector<16x2048xi1>
    %convert_element_type3A = arith.extui %and3A : vector<16x2048xi1> to vector<16x2048xi32>
    %convert_element_type3A_453 = arith.sitofp %convert_element_type3A : vector<16x2048xi32> to vector<16x2048xf32>
    %ge3A_454 = vector.broadcast %select_n3A_443 : vector<16x1xi32> to vector<16x2048xi32>
    %ge3A_455 = arith.cmpi sge, %add3A_3, %ge3A_454 : vector<16x2048xi32>
    %lt3A_456 = vector.broadcast %select_n3A_450 : vector<16x1xi32> to vector<16x2048xi32>
    %lt3A_457 = arith.cmpi slt, %add3A_3, %lt3A_456 : vector<16x2048xi32>
    %and3A_458 = arith.andi %ge3A_455, %lt3A_457 : vector<16x2048xi1>
    %convert_element_type3A_459 = arith.extui %and3A_458 : vector<16x2048xi1> to vector<16x2048xi32>
    %convert_element_type3A_460 = arith.sitofp %convert_element_type3A_459 : vector<16x2048xi32> to vector<16x2048xf32>
    %get3A_461 = arith.constant 0 : index
    %get3A_462 = arith.constant 0 : index
    %get3A_463 = vector.load %arg3[%get3A_461, %get3A_462] : memref<64x2048xf32, #tpu.memory_space<vmem>>, vector<64x2048xf32>
    %dot_general3A = arith.constant dense<0.000000e+00> : vector<16x64xf32>
    %dot_general3A_464 = tpu.matmul %convert_element_type3A_453, %get3A_463, %dot_general3A {dimension_numbers = #tpu.dot_dimension_numbers<[1], [1], [0], [0], [0, 0, 1, 0], [], []>, transpose_lhs_hint = false} : vector<16x2048xf32>, vector<64x2048xf32>, vector<16x64xf32> -> vector<16x64xf32>
    %get3A_465 = arith.constant 0 : index
    %get3A_466 = arith.constant 0 : index
    %get3A_467 = vector.load %arg4[%get3A_465, %get3A_466] : memref<64x2048xf32, #tpu.memory_space<vmem>>, vector<64x2048xf32>
    %dot_general3A_468 = arith.constant dense<0.000000e+00> : vector<16x64xf32>
    %dot_general3A_469 = tpu.matmul %convert_element_type3A_460, %get3A_467, %dot_general3A_468 {dimension_numbers = #tpu.dot_dimension_numbers<[1], [1], [0], [0], [0, 0, 1, 0], [], []>, transpose_lhs_hint = false} : vector<16x2048xf32>, vector<64x2048xf32>, vector<16x64xf32> -> vector<16x64xf32>
    %eq3A_470 = arith.constant 0 : i32
    %eq3A_471 = arith.cmpi eq, %arg0, %eq3A_470 : i32
    %convert_element_type3A_472 = arith.extui %eq3A_471 : i1 to i32
    %cond3A = arith.constant 0 : i32
    %cond3A_473 = arith.cmpi ne, %convert_element_type3A_472, %cond3A : i32
    scf.if %cond3A_473 {
      %swap3A = arith.constant 0 : index
      %swap3A_483 = arith.constant 0 : index
      %swap3A_484 = vector.load %arg7[%swap3A, %swap3A_483] : memref<16x64xf32, #tpu.memory_space<vmem>>, vector<16x64xf32>
      tpu.vector_store %arg7[%swap3A, %swap3A_483], %dot_general3A_464 {strides = array<i32>} : memref<16x64xf32, #tpu.memory_space<vmem>>, vector<16x64xf32>,
      %swap3A_485 = arith.constant 0 : index
      %swap3A_486 = arith.constant 0 : index
      %swap3A_487 = vector.load %arg8[%swap3A_485, %swap3A_486] : memref<16x64xf32, #tpu.memory_space<vmem>>, vector<16x64xf32>
      tpu.vector_store %arg8[%swap3A_485, %swap3A_486], %dot_general3A_469 {strides = array<i32>} : memref<16x64xf32, #tpu.memory_space<vmem>>, vector<16x64xf32>,
    } else {
    }
    %gt3A = arith.constant 0 : i32
    %gt3A_474 = arith.cmpi sgt, %arg0, %gt3A : i32
    %convert_element_type3A_475 = arith.extui %gt3A_474 : i1 to i32
    %cond3A_476 = arith.constant 0 : i32
    %cond3A_477 = arith.cmpi ne, %convert_element_type3A_475, %cond3A_476 : i32
    scf.if %cond3A_477 {
      %get3A_483 = arith.constant 0 : index
      %get3A_484 = arith.constant 0 : index
      %get3A_485 = vector.load %arg7[%get3A_483, %get3A_484] : memref<16x64xf32, #tpu.memory_space<vmem>>, vector<16x64xf32>
      %add3A_486 = arith.addf %get3A_485, %dot_general3A_464 : vector<16x64xf32>
      %swap3A = arith.constant 0 : index
      %swap3A_487 = arith.constant 0 : index
      %swap3A_488 = vector.load %arg7[%swap3A, %swap3A_487] : memref<16x64xf32, #tpu.memory_space<vmem>>, vector<16x64xf32>
      tpu.vector_store %arg7[%swap3A, %swap3A_487], %add3A_486 {strides = array<i32>} : memref<16x64xf32, #tpu.memory_space<vmem>>, vector<16x64xf32>,
      %get3A_489 = arith.constant 0 : index
      %get3A_490 = arith.constant 0 : index
      %get3A_491 = vector.load %arg8[%get3A_489, %get3A_490] : memref<16x64xf32, #tpu.memory_space<vmem>>, vector<16x64xf32>
      %add3A_492 = arith.addf %get3A_491, %dot_general3A_469 : vector<16x64xf32>
      %swap3A_493 = arith.constant 0 : index
      %swap3A_494 = arith.constant 0 : index
      %swap3A_495 = vector.load %arg8[%swap3A_493, %swap3A_494] : memref<16x64xf32, #tpu.memory_space<vmem>>, vector<16x64xf32>
      tpu.vector_store %arg8[%swap3A_493, %swap3A_494], %add3A_492 {strides = array<i32>} : memref<16x64xf32, #tpu.memory_space<vmem>>, vector<16x64xf32>,
    } else {
    }
    %eq3A_478 = arith.constant 5 : i32
    %eq3A_479 = arith.cmpi eq, %arg0, %eq3A_478 : i32
    %convert_element_type3A_480 = arith.extui %eq3A_479 : i1 to i32
    %cond3A_481 = arith.constant 0 : i32
    %cond3A_482 = arith.cmpi ne, %convert_element_type3A_480, %cond3A_481 : i32
    scf.if %cond3A_482 {
      %get3A_483 = arith.constant 0 : index
      %get3A_484 = arith.constant 0 : index
      %get3A_485 = vector.load %arg7[%get3A_483, %get3A_484] : memref<16x64xf32, #tpu.memory_space<vmem>>, vector<16x64xf32>
      %swap3A = arith.constant 0 : index
      %swap3A_486 = arith.constant 0 : index
      %swap3A_487 = vector.load %arg5[%swap3A, %swap3A_486] : memref<16x64xf32, #tpu.memory_space<vmem>>, vector<16x64xf32>
      tpu.vector_store %arg5[%swap3A, %swap3A_486], %get3A_485 {strides = array<i32>} : memref<16x64xf32, #tpu.memory_space<vmem>>, vector<16x64xf32>,
      %get3A_488 = arith.constant 0 : index
      %get3A_489 = arith.constant 0 : index
      %get3A_490 = vector.load %arg8[%get3A_488, %get3A_489] : memref<16x64xf32, #tpu.memory_space<vmem>>, vector<16x64xf32>
      %swap3A_491 = arith.constant 0 : index
      %swap3A_492 = arith.constant 0 : index
      %swap3A_493 = vector.load %arg6[%swap3A_491, %swap3A_492] : memref<16x64xf32, #tpu.memory_space<vmem>>, vector<16x64xf32>
      tpu.vector_store %arg6[%swap3A_491, %swap3A_492], %get3A_490 {strides = array<i32>} : memref<16x64xf32, #tpu.memory_space<vmem>>, vector<16x64xf32>,
    } else {
    }
    return
  }
  func.func @transform_0(%arg0: i32) -> i32 {
    %c0_i32 = arith.constant 0 : i32
    %c0_i32_0 = arith.constant 0 : i32
    return %c0_i32 : i32
  }
  func.func @transform_1(%arg0: i32) -> i32 {
    %c0_i32 = arith.constant 0 : i32
    %c0_i32_0 = arith.constant 0 : i32
    return %c0_i32 : i32
  }
  func.func @transform_2(%arg0: i32) -> (i32, i32) {
    %add3A = arith.constant 2 : i32
    %add3A_0 = arith.addi %arg0, %add3A : i32
    %c0_i32 = arith.constant 0 : i32
    %c0_i32_1 = arith.constant 0 : i32
    return %c0_i32, %add3A_0 : i32, i32
  }
  func.func @transform_3(%arg0: i32) -> (i32, i32) {
    %add3A = arith.constant 2 : i32
    %add3A_0 = arith.addi %arg0, %add3A : i32
    %c0_i32 = arith.constant 0 : i32
    %c0_i32_1 = arith.constant 0 : i32
    return %c0_i32, %add3A_0 : i32, i32
  }
  func.func @transform_4(%arg0: i32) -> (i32, i32) {
    %c0_i32 = arith.constant 0 : i32
    %c0_i32_0 = arith.constant 0 : i32
    %c0_i32_1 = arith.constant 0 : i32
    return %c0_i32, %c0_i32_0 : i32, i32
  }
  func.func @transform_5(%arg0: i32) -> (i32, i32) {
    %c0_i32 = arith.constant 0 : i32
    %c0_i32_0 = arith.constant 0 : i32
    %c0_i32_1 = arith.constant 0 : i32
    return %c0_i32, %c0_i32_0 : i32, i32
  }
}

</mosaic_0001>

<sc_bundles>
// kernel: kernel.5.cloned.1.call-start
scs
__scs_entry_jumppad:
0x0: {  	(pc) =	sbr.rel $0x88, $3  }
0x1: {  	(tag) =	ssettag $0x0;
	lr =	simm.s32 $0x1  }
0x2: {  	[smem:$0x3F98] =	sst lr;
	_ =	strace $0xD0000000  }
0x3: {  	_ = 	snop  }
0x4: {  	_ = 	snop  }
0x5: {  	_ = 	snop  }
0x6: {  	_ = 	snop  }
0x7: {  	_ = 	snop  }
__scs_overlays_trampoline_lowered:
0x8: {  	[smem:$0x3FA7] =	sst s0  }
0x9: {  	[smem:$0x3FA8] =	sst s1  }
0xa: {  	[smem:$0x3FA9] =	sst s2  }
0xb: {  	[smem:$0x3FAA] =	sst s3  }
0xc: {  	[smem:$0x3FAB] =	sst s4  }
0xd: {  	[smem:$0x3FAC] =	sst s5  }
0xe: {  	[smem:$0x3FAD] =	sst s6  }
0xf: {  	[smem:$0x3FAE] =	sst s7  }
0x10: {  	[smem:$0x3FAF] =	sst s8  }
0x11: {  	[smem:$0x3FB0] =	sst s9;
	s0 =	simm.s32 @!p0 $0x0  }
0x12: {  	s1 =	sld [smem:$0x3F96];
	s0 =	simm.s32 @p0 $0x1  }
0x13: {  	[smem:$0x3FB1] =	sst s0;
	s0 =	simm.s32 @!p1 $0x0  }
0x14: {  	s2 =	sld [smem:$0x3F95];
	s0 =	simm.s32 @p1 $0x1  }
0x15: {  	[smem:$0x3FB2] =	sst s0;
	s0 =	simm.s32 @!p2 $0x0  }
0x16: {  	s3 =	sld [smem:$0x3FDB];
	s0 =	simm.s32 @p2 $0x1  }
0x17: {  	s4 =	simm.s32 $0x1BF5;
	[smem:$0x3FB4] =	sst s0  }
0x18: {  	s0 =	sld [smem:$0x3F97];
	_ =	swait.ge [sflag:s4], $0x0  }
0x19: {  	s7 =	sld [smem:$0x3F98]  }
0x1a: {  	s8 =	sadd.s32 $0xFFFFE003, lr  }
0x1b: {  	s9 =	sadd.s32 $0xFFFFFEF7, lr;
	s5 =	simm.s32 $0xFFFFFFFF;
	p2 =	slt.u32 s8, $0xFFFFF086  }
0x1c: {  	p1 =	slt.u32 s9, $0xF7A;
	s5 =	simm.s32 @!p2 $0x0  }
0x1d: {  	s5 =	simm.s32 @p1 $0x1;
	p0 =	seq.s32 s7, s2  }
0x1e: {  	s7 =	smul.u32 @!p0 $0xF7A, s2;
	p2 =	seq.s32 @!p0 s5, $0x0  }
0x1f: {  	s9 =	smul.u32 $0xF7A, s1;
	s8 =	simm.s32 @!p0 $0x1BF5;
	p2 =	por !p2, p0  }
0x20: {  	[sflag:s8] =	ssyncset.s32 @!p0 $0xFFFFF086;
	s6 =	sadd.s32 @!p0 s3, s7;
	s7 =	simm.s32 @!p0 $0x108  }
0x21: {  	s3 =	sadd.s32 s3, s9;
	s6 =	sadd.s32 @!p0 $0x88, s6;
	s7 =	simm.s32 @p2 $0x1082  }
0x22: {  	[simem:s7], [sflag:s8] =	dma.local @!p0 [hbm:s6], $0xF7A  }
0x23: {  	s9 =	sor.u32 $0xD0000000, s2;
	s6 =	simm.s32 $0x108;
	_ =	swait.ge @!p0 [sflag:s8], $0x0  }
0x24: {  	s3 =	sadd.s32 $0x88, s3;
	s6 =	simm.s32 @!p1 $0x1082;
	[sflag:s4] =	ssyncset.s32 $0xFFFFF086  }
0x25: {  	[simem:s6], [sflag:s4] =	dma.local [hbm:s3], $0xF7A  }
0x26: {  	[smem:$0x3F98] =	sst s1;
	(tag) =	ssettag s2;
	_ =	strace s9  }
0x27: {  	s1 =	sld [smem:$0x3FA8]  }
0x28: {  	s2 =	sld [smem:$0x3FA9]  }
0x29: {  	s4 =	sld [smem:$0x3FAB]  }
0x2a: {  	p0 =	seq.s32 s5, $0x0;
	s5 =	sld [smem:$0x3FAC]  }
0x2b: {  	s6 =	sld [smem:$0x3FAD]  }
0x2c: {  	s7 =	sld [smem:$0x3FAE]  }
0x2d: {  	s3 =	simm.s32 $0x108;
	s8 =	sld [smem:$0x3FAF]  }
0x2e: {  	s3 =	simm.s32 @!p0 $0x1082;
	s9 =	sld [smem:$0x3FB0]  }
0x2f: {  	lr =	sadd.s32 s0, s3;
	s0 =	sld [smem:$0x3FA7]  }
0x30: {  	s3 =	sld [smem:$0x3FAA]  }
0x31: {  	[smem:$0x3FB3] =	sst s10  }
0x32: {  	s10 =	sld [smem:$0x3FB1];
	_ =	sdelay $0x3  }
0x33: {  	p0 =	seq.s32 s10, $0x1;
	s10 =	sld [smem:$0x3FB3];
	_ =	sdelay $0x3  }
0x34: {  	[smem:$0x3FB3] =	sst s10  }
0x35: {  	s10 =	sld [smem:$0x3FB2];
	_ =	sdelay $0x3  }
0x36: {  	p1 =	seq.s32 s10, $0x1;
	s10 =	sld [smem:$0x3FB3];
	_ =	sdelay $0x3  }
0x37: {  	[smem:$0x3FB3] =	sst s10  }
0x38: {  	s10 =	sld [smem:$0x3FB4]  }
0x39: {  	_ = 	snop;
	(pc) =	sbr.ind lr, $3  }
0x3a: {  	_ = 	snop  }
0x3b: {  	_ = 	snop  }
0x3c: {  	p2 =	seq.s32 s10, $0x1;
	s10 =	sld [smem:$0x3FB3]  }
0x3d: {  	_ =	shalt  }
0x3e: {  	_ =	shalt  }
0x3f: {  	_ =	shalt  }
0x40: {  	_ =	shalt  }
0x41: {  	_ =	shalt  }
0x42: {  	_ =	shalt  }
0x43: {  	_ =	shalt  }
0x44: {  	_ =	shalt  }
0x45: {  	_ =	shalt  }
0x46: {  	_ =	shalt  }
0x47: {  	_ =	shalt  }
0x48: {  	_ =	shalt  }
0x49: {  	_ =	shalt  }
0x4a: {  	_ =	shalt  }
0x4b: {  	_ =	shalt  }
0x4c: {  	_ =	shalt  }
0x4d: {  	_ =	shalt  }
0x4e: {  	_ =	shalt  }
0x4f: {  	_ =	shalt  }
0x50: {  	_ =	shalt  }
0x51: {  	_ =	shalt  }
0x52: {  	_ =	shalt  }
0x53: {  	_ =	shalt  }
0x54: {  	_ =	shalt  }
0x55: {  	_ =	shalt  }
0x56: {  	_ =	shalt  }
0x57: {  	_ =	shalt  }
0x58: {  	_ =	shalt  }
0x59: {  	_ =	shalt  }
0x5a: {  	_ =	shalt  }
0x5b: {  	_ =	shalt  }
0x5c: {  	_ =	shalt  }
0x5d: {  	_ =	shalt  }
0x5e: {  	_ =	shalt  }
0x5f: {  	_ =	shalt  }
0x60: {  	_ =	shalt  }
0x61: {  	_ =	shalt  }
0x62: {  	_ =	shalt  }
0x63: {  	_ =	shalt  }
0x64: {  	_ =	shalt  }
0x65: {  	_ =	shalt  }
0x66: {  	_ =	shalt  }
0x67: {  	_ =	shalt  }
0x68: {  	_ =	shalt  }
0x69: {  	_ =	shalt  }
0x6a: {  	_ =	shalt  }
0x6b: {  	_ =	shalt  }
0x6c: {  	_ =	shalt  }
0x6d: {  	_ =	shalt  }
0x6e: {  	_ =	shalt  }
0x6f: {  	_ =	shalt  }
0x70: {  	_ =	shalt  }
0x71: {  	_ =	shalt  }
0x72: {  	_ =	shalt  }
0x73: {  	_ =	shalt  }
0x74: {  	_ =	shalt  }
0x75: {  	_ =	shalt  }
0x76: {  	_ =	shalt  }
0x77: {  	_ =	shalt  }
0x78: {  	_ =	shalt  }
0x79: {  	_ =	shalt  }
0x7a: {  	_ =	shalt  }
0x7b: {  	_ =	shalt  }
0x7c: {  	_ =	shalt  }
0x7d: {  	_ =	shalt  }
0x7e: {  	_ =	shalt  }
0x7f: {  	_ =	shalt  }
0x80: {  	_ =	shalt  }
0x81: {  	_ =	shalt  }
0x82: {  	_ =	shalt  }
0x83: {  	_ =	shalt  }
0x84: {  	_ =	shalt  }
0x85: {  	_ =	shalt  }
0x86: {  	_ =	shalt  }
0x87: {  	_ =	shalt  }
.Lfunc_end0:
.L_simem_size_0:
called_computation_lowered:
.L_overlay_start_0:
0x88: {  	s2 =	sld [smem:$0x3FD9]  }
0x89: {  	s3 =	sld [smem:$0x3FFE];
	_ =	sdelay $0x1  }
0x8a: {  	s1 =	srdreg.scid  }
0x8b: {  	s0 =	sand.u32 $0x1, s1  }
0x8c: {  	s17 =	sshll.u32 s0, $0xA;
	s2 =	sadd.s32 s3, s2  }
0x8d: {  	s2 =	sadd.s32 s2, s17  }
0x8e: {  	[smem:$0x3FBF] =	sst s2  }
0x8f: {  	_ = 	snop  }
0x90: {  	s2 =	sld [smem:$0x3FC9]  }
0x91: {  	s18 =	sld [smem:$0x3FC8]  }
0x92: {  	s4 =	sld [smem:$0x3FC7]  }
0x93: {  	s5 =	sld [smem:$0x3FC6];
	(tm) =	ssettm $0x1  }
0x94: {  	s6 =	sld [smem:$0x3FFB];
	_ =	sdelay $0x3  }
0x95: {  	_ =	strace s6  }
0x96: {  	s6 =	sld [smem:$0x3FFC];
	_ =	sdelay $0x3  }
0x97: {  	_ =	strace s6  }
0x98: {  	s6 =	sld [smem:$0x3FFD];
	_ =	sdelay $0x3  }
0x99: {  	_ =	strace s6  }
0x9a: {  	_ =	strace $0x8FFFFFFF  }
0x9b: {  	s19 =	sld [smem:$0x3FDB];
	_ =	sdelay $0x1  }
0x9c: {  	s7 =	simm.s32 $_scs_section_size  }
0x9d: {  	s8 =	simm.s32 $_size__tile_overlayer_lowered;
	s9 =	simm.s32 $_tile_overlayer_lowered  }
0x9e: {  	s22 =	simm.s32 $0x1BFF;
	s21 =	sshll.u32 s9, $0x1;
	s6 =	sadd.s32 s7, s19  }
0x9f: {  	s10 =	simm.s32 $0x0;
	s20 =	sshll.u32 s8, $0x1;
	s8 =	sadd.s32 s21, s6  }
0xa0: {  	[timem:s10], [sflag:s22] =	dma.local [hbm:s8], s20  }
0xa1: {  	_ =	swait.ge [sflag:s22], s20  }
0xa2: {  	s7 =	ssub.s32 $0x0, s20;
	[sflag:s22] =	ssyncset.done $0x0  }
0xa3: {  	[sflag:s22] =	ssyncadd.s32 s7;
	_ =	sdelay $0x1  }
0xa4: {  	s23 =	simm.s32 $0x1B8B  }
0xa5: {  	_ =	swait.ge [sflag:s23], $0x1  }
0xa6: {  	[sflag:s23] =	ssyncset.done $0x0  }
0xa7: {  	s25 =	simm.s32 $0x1B8E;
	s24 =	sld [smem:$0x3FFE];
	[sflag:s23] =	ssyncadd.s32 $0xFFFFFFFF  }
0xa8: {  	s26 =	simm.s32 $execute0_lowered;
	[smem:$0x3FD2] =	sst s25  }
0xa9: {  	s8 =	sshll.u32 s26, $0x1;
	_ =	strace $0x80000046;
	[dreg:$0x1] =	wrdreg $0xFFFFFFFF  }
0xaa: {  	s28 =	simm.s32 $_size_execute0_lowered;
	s6 =	sadd.s32 s6, s8;
	[dreg:$0x0] =	wrdreg $0x0  }
0xab: {  	s8 =	sshll.u32 s28, $0x1;
	[dreg:$0x2] =	wrdreg s6  }
0xac: {  	[dreg:$0x3] =	wrdreg s8  }
0xad: {  	[dreg:$0x4] =	wrdreg $0xC0  }
0xae: {  	_ =	task [dreg:s10], $0x5FFFF  }
0xaf: {  	[dreg:$0x1] =	wrdreg $0xFFFFFFFF  }
0xb0: {  	[dreg:$0x0] =	wrdreg $0x60  }
0xb1: {  	[dreg:$0x2] =	wrdreg s2  }
0xb2: {  	[dreg:$0x3] =	wrdreg s18  }
0xb3: {  	[dreg:$0x4] =	wrdreg s4  }
0xb4: {  	[dreg:$0x5] =	wrdreg s5  }
0xb5: {  	[dreg:$0x6] =	wrdreg s24  }
0xb6: {  	[dreg:$0x7] =	wrdreg $0x9  }
0xb7: {  	_ =	task.clear_ibuf [dreg:s10], $0x8FFFF;
	_ =	strace $0x90000046  }
0xb8: {  	s29 =	simm.s32 $0x9;
	_ =	strace $0x80000048  }
0xb9: {  	_ =	swait.ge [sflag:s29], $0x1  }
0xba: {  	[sflag:s29] =	ssyncadd.s32 $0xFFFFFFFF  }
0xbb: {  	_ =	strace $0x90000048  }
0xbc: {  	_ =	sfence  }
0xbd: {  	s30 =	sld [smem:$0x0];
	_ =	sdelay $0x2  }
0xbe: {  	s31 =	sshll.u32 s1, $0xD;
	s1 =	sshrl.u32 s1, $0x2  }
0xbf: {  	s3 =	sand.u32 $0x4000, s31;
	s1 =	sadd.s32 s1, s30  }
0xc0: {  	s0 =	sor.u32 s3, s0;
	s1 =	sshll.u32 s1, $0x11  }
0xc1: {  	s0 =	sor.u32 s1, s0  }
0xc2: {  	s0 =	sadd.s32 $0x8F2B, s0  }
0xc3: {  	[sflag:s0] =	ssyncadd.remote.s32 $0x1  }
0xc4: {  	_ =	sfence.sel $0xFFFF  }
0xc5: {  	[dreg:$0x0] =	wrdreg $0xFFFFFFFF;
	(pc) =	sbr.abs _section_cstart, $3  }
0xc6: {  	[dreg:$0x1] =	wrdreg $0xFFFFFFFF  }
0xc7: {  	_ =	task.clear_ibuf [dreg:s10], $0x2FFFF;
	_ =	strace $0x9FFFFFFF  }
0xc8: {  	(tm) =	ssettm $0x7FFFFFFF  }
0xc9: {  	_ =	shalt  }
tec
execute0_lowered:
.L_overlay_start_1:
0x0: {  	(tag) =	ssettag $0x1  }
0x1: {  	s0 =	rddreg [dreg:$0x0]  }
0x2: {  	s1 =	rddreg [dreg:$0x1]  }
0x3: {  	s2 =	rddreg [dreg:$0x4];
	s3 =	srdreg.scid  }
0x4: {  	s7 =	simm.s32 $0x0;
	s4 =	stileid.u32;
	s3 =	sand.u32 $0x1, s3  }
0x5: {  	s13 =	simm.s32 $0x4C00;
	s14 =	simm.s32 $0x3;
	s5 =	sshll.u32 s3, $0x4  }
0x6: {  	[smem:$0x7FF] =	sst s7;
	s3 =	ssub.s32 $0x2, s3;
	s5 =	sor.u32 s4, s5  }
0x7: {  	s26 =	sshrl.u32 s3, $0x1;
	s6 =	sshll.u32 s5, $0x8;
	s5 =	sshll.u32 s5, $0x7  }
0x8: {  	_ =	strace $0x80000047;
	s3 =	ssub.s32 s3, s26;
	s0 =	sadd.s32 s0, s5  }
.Ltmp0:
0x9: {  	s28 =	sadd.s32 s1, s5;
	[dreg:$0xe] =	wrdreg s0;
	(pc) =	sbr.rel .LBB2_1-.Ltmp0, $4  }
0xa: {  	s2 =	sadd.s32 s6, s2;
	s31 =	smax.u32 s3, $0x1;
	[dreg:$0xf] =	wrdreg s28  }
0xb: {  	s16 =	simm.s32 $0x4C80;
	s29 =	sadd.s32 $0x2000, s2;
	[dreg:$0x12] =	wrdreg s31  }
0xc: {  	v0 =	vlaneseq.u32;
	s17 =	simm.s32 $0x4D00;
	v3 =	vimm.f32 $0.0e+00;
	vm0 =	vmxor vm0, vm0;
	s30 =	sadd.s32 $0x4000, s2;
	[dreg:$0x10] =	wrdreg s29  }
0xd: {  	s18 =	simm.s32 $0x4800;
	s21 =	simm.s32 $0x0;
	v2 =	vadd.s32 $0x1, v0;
	v4 =	vmul.u32 $0x40, v0;
	v1 =	vmov s5;
	[dreg:$0x11] =	wrdreg s30  }
.LBB2_33:
0xe: {  	s7 =	simm.s32 $0x0;
	s0 =	rddreg [dreg:$0x11];
	s1 =	simm.s32 $0x4000  }
0xf: {  	[hbm4b:s0+s7] =	stream.linear.scatter [tilespmem:s1], [sflag:$0x3], $0x800, $0x38;
	[tilespmem:$0x4D80] =	vst v63  }
0x10: {  	_ =	swait.ge [sflag:s14], $0x800  }
0x11: {  	s21 =	sadd.s32 $0x1, s21;
	s31 =	rddreg [dreg:$0x12]  }
0x12: {  	p0 =	sne.s32 s21, s31  }
.Ltmp1:
0x13: {  	_ = 	snop;
	(pc) =	sbr.rel @!p0 .LBB2_34-.Ltmp1, $3  }
0x14: {  	_ =	sdelay $0x1  }
0x15: {  	[sflag:s14] =	ssyncset.done $0x0  }
0x16: {  	[sflag:s14] =	ssyncadd.s32 $0xFFFFF800  }
.LBB2_1:
0x17: {  	s0 =	rddreg [dreg:$0xe];
	s1 =	simm.s32 $0x400;
	s2 =	simm.s32 $0x20000  }
0x18: {  	[tilespmem:s7], [sflag:$0x1] =	stream.strided.gather [hbm4b:s0+s1], $0x2000, s2, s1, $0x38;
	[tilespmem:$0x4D80] =	vst v63  }
0x19: {  	s29 =	rddreg [dreg:$0xf];
	s3 =	simm.s32 $0x2000  }
0x1a: {  	[tilespmem:s3], [sflag:$0x2] =	stream.strided.gather [hbm4b:s29+s1], $0x2000, s2, s1, $0x38;
	[tilespmem:$0x4D80] =	vst v63  }
0x1b: {  	s30 =	rddreg [dreg:$0x2]  }
0x1c: {  	[tilespmem:s13], [sflag:$0x3] =	stream.linear.gather [hbm4b:s30+s7], $0x80, $0x38;
	[tilespmem:$0x4D80] =	vst v63  }
0x1d: {  	_ =	swait.ge [sflag:s14], $0x80  }
0x1e: {  	[sflag:s14] =	ssyncset.done $0x0  }
0x1f: {  	[sflag:s14] =	ssyncadd.s32 $0xFFFFFF80  }
0x20: {  	v5 =	vld.idx.msk [tilespmem:v0+s13+$0x0], $0xffff  }
0x21: {  	v6 =	vld.idx.msk [tilespmem:v2+s13+$0x0], $0xffff;
	[tilespmem:$0x4000] =	vst v3  }
0x22: {  	[tilespmem:$0x4010] =	vst v3  }
0x23: {  	[tilespmem:$0x4020] =	vst v3  }
0x24: {  	[tilespmem:$0x4030] =	vst v3  }
0x25: {  	[tilespmem:$0x4080] =	vst v3  }
0x26: {  	[tilespmem:$0x4090] =	vst v3  }
0x27: {  	[tilespmem:$0x40A0] =	vst v3  }
0x28: {  	[tilespmem:$0x40B0] =	vst v3  }
0x29: {  	[tilespmem:$0x4100] =	vst v3  }
0x2a: {  	[tilespmem:$0x4110] =	vst v3  }
0x2b: {  	[tilespmem:$0x4120] =	vst v3  }
0x2c: {  	[tilespmem:$0x4130] =	vst v3  }
0x2d: {  	[tilespmem:$0x4180] =	vst v3  }
0x2e: {  	[tilespmem:$0x4190] =	vst v3  }
0x2f: {  	[tilespmem:$0x41A0] =	vst v3  }
0x30: {  	[tilespmem:$0x41B0] =	vst v3  }
0x31: {  	[tilespmem:$0x4200] =	vst v3  }
0x32: {  	[tilespmem:$0x4210] =	vst v3  }
0x33: {  	[tilespmem:$0x4220] =	vst v3  }
0x34: {  	[tilespmem:$0x4230] =	vst v3  }
0x35: {  	[tilespmem:$0x4280] =	vst v3  }
0x36: {  	[tilespmem:$0x4290] =	vst v3  }
0x37: {  	[tilespmem:$0x42A0] =	vst v3  }
0x38: {  	[tilespmem:$0x42B0] =	vst v3  }
0x39: {  	[tilespmem:$0x4300] =	vst v3  }
0x3a: {  	[tilespmem:$0x4310] =	vst v3  }
0x3b: {  	[tilespmem:$0x4320] =	vst v3  }
0x3c: {  	[tilespmem:$0x4330] =	vst v3  }
0x3d: {  	[tilespmem:$0x4380] =	vst v3  }
0x3e: {  	[tilespmem:$0x4390] =	vst v3  }
0x3f: {  	[tilespmem:$0x43A0] =	vst v3  }
0x40: {  	[tilespmem:$0x43B0] =	vst v3  }
0x41: {  	[tilespmem:$0x4400] =	vst v3  }
0x42: {  	[tilespmem:$0x4410] =	vst v3  }
0x43: {  	[tilespmem:$0x4420] =	vst v3  }
0x44: {  	[tilespmem:$0x4430] =	vst v3  }
0x45: {  	[tilespmem:$0x4480] =	vst v3  }
0x46: {  	[tilespmem:$0x4490] =	vst v3  }
0x47: {  	[tilespmem:$0x44A0] =	vst v3  }
0x48: {  	[tilespmem:$0x44B0] =	vst v3  }
0x49: {  	[tilespmem:$0x4500] =	vst v3  }
0x4a: {  	[tilespmem:$0x4510] =	vst v3  }
0x4b: {  	[tilespmem:$0x4520] =	vst v3  }
0x4c: {  	[tilespmem:$0x4530] =	vst v3  }
0x4d: {  	[tilespmem:$0x4580] =	vst v3  }
0x4e: {  	[tilespmem:$0x4590] =	vst v3  }
0x4f: {  	[tilespmem:$0x45A0] =	vst v3  }
0x50: {  	[tilespmem:$0x45B0] =	vst v3  }
0x51: {  	[tilespmem:$0x4600] =	vst v3  }
0x52: {  	[tilespmem:$0x4610] =	vst v3  }
0x53: {  	[tilespmem:$0x4620] =	vst v3  }
0x54: {  	[tilespmem:$0x4630] =	vst v3  }
0x55: {  	[tilespmem:$0x4680] =	vst v3  }
0x56: {  	[tilespmem:$0x4690] =	vst v3  }
0x57: {  	[tilespmem:$0x46A0] =	vst v3  }
0x58: {  	[tilespmem:$0x46B0] =	vst v3  }
0x59: {  	[tilespmem:$0x4700] =	vst v3  }
0x5a: {  	[tilespmem:$0x4710] =	vst v3  }
0x5b: {  	[tilespmem:$0x4720] =	vst v3  }
0x5c: {  	[tilespmem:$0x4730] =	vst v3  }
0x5d: {  	[tilespmem:$0x4780] =	vst v3;
	v5 =	vsub.s32 v5, v1  }
0x5e: {  	[tilespmem:$0x4790] =	vst v3;
	v6 =	vsub.s32 v6, v1;
	vm1 =	vgt.s32 v5, $0x0  }
0x5f: {  	[tilespmem:$0x47A0] =	vst v3;
	v5 =	vnsel vm1, $0x0, v5;
	vm1 =	vgt.s32 v6, $0x0  }
0x60: {  	[tilespmem:$0x47B0] =	vst v3;
	v5 =	vmin.u32 v5, $0x80;
	v6 =	vnsel vm1, $0x0, v6  }
.Ltmp2:
0x61: {  	[tilespmem:$0x4C80] =	vst v5;
	v5 =	vmin.u32 v6, $0x80;
	(pc) =	sbr.rel .LBB2_2-.Ltmp2, $4  }
0x62: {  	s31 =	simm.s32 $0x1;
	[tilespmem:$0x4D00] =	vst v5  }
0x63: {  	_ =	swait.ge [sflag:s31], $0x2000  }
0x64: {  	[sflag:s31] =	ssyncset.done $0x0  }
0x65: {  	s22 =	simm.s32 $0x0;
	[sflag:s31] =	ssyncadd.s32 $0xFFFFE000  }
.LBB2_16:
0x66: {  	s22 =	sadd.s32 $0x1, s22  }
0x67: {  	p0 =	sne.s32 s22, $0x10  }
.Ltmp3:
0x68: {  	_ = 	snop;
	(pc) =	sbr.rel @!p0 .LBB2_17-.Ltmp3, $1  }
0x69: {  	_ =	sdelay $0x3  }
.LBB2_2:
0x6a: {  	v6 =	vmov s22;
	_ =	sdelay $0x4  }
0x6b: {  	v5 =	vld.idx.msk [tilespmem:v6+s16+$0x0], $0xffff  }
0x6c: {  	v6 =	vld.idx.msk [tilespmem:v6+s17+$0x0], $0xffff;
	_ =	sdelay $0x3  }
0x6d: {  	(v2sf) =	vpush v5, $0x0  }
0x6e: {  	(v2sf) =	vpush v6, $0x0;
	_ =	sdelay $0xd  }
0x6f: {  	s0 =	spop (v2sf)  }
0x70: {  	s1 =	spop (v2sf)  }
0x71: {  	p0 =	sle.s32 s1, s0  }
.Ltmp4:
0x72: {  	_ = 	snop;
	(pc) =	sbr.rel @p0 .LBB2_16-.Ltmp4, $1  }
0x73: {  	_ =	sdelay $0x3  }
0x74: {  	s2 =	sand.u32 $0xFFFFFFF0, s0;
	v5 =	vbroadcast v5, $0x0;
	v6 =	vbroadcast v6, $0x0  }
0x75: {  	s3 =	sadd.s32 $0xF, s0;
	s5 =	sand.u32 $0xFFFFFFF0, s1;
	s20 =	sshrl.u32 s1, $0x4;
	vm5 =	vmmov vm0;
	v7 =	vor.u32 s2, v0  }
.Ltmp5:
0x76: {  	s29 =	sshrl.u32 s0, $0x4;
	v8 =	vor.u32 s5, v0;
	s23 =	sand.u32 $0xFFFFFFF0, s3;
	vm1 =	vge.s32 v7, v5;
	vm2 =	vlt.s32 v7, v6;
	(pc) =	sbr.rel .LBB2_4-.Ltmp5, $4  }
0x77: {  	s24 =	sand.u32 $0xFFFFFF80, s0;
	p0 =	slt.s32 s5, $0x70;
	s6 =	smov.u32 s5;
	vm3 =	vge.s32 v7, s5;
	vm1 =	vmand vm1, vm2;
	vm2 =	vlt.s32 v7, s23  }
0x78: {  	s30 =	sand.u32 $0x70, s0;
	s6 =	simm.s32 @!p0 $0x70;
	vm4 =	vlt.s32 v8, v6;
	p0 =	sne.s32 s20, s29;
	vm2 =	vmor vm2, vm3;
	vm3 =	vge.s32 v8, v5  }
0x79: {  	s28 =	simm.s32 $0x0;
	s19 =	sshrl.u32 s3, $0x4;
	vm5 =	vmneg @p0 vm5;
	s31 =	sand.u32 $0x70, s6;
	vm1 =	vmand vm1, vm2;
	vm2 =	vmand vm3, vm4  }
0x7a: {  	s26 =	ssub.s32 s20, s19;
	v6 =	vmov s30;
	s25 =	sand.u32 $0xFFFFFF80, s6;
	p0 =	sle.u32 s20, s19;
	v7 =	vmov s31;
	vm2 =	vmand vm5, vm2  }
.LBB2_6:
0x7b: {  	v10 =	vimm.f32 $0.0e+00;
	v9 =	vimm.f32 $0.0e+00  }
0x7c: {  	v12 =	vimm.f32 $0.0e+00;
	v11 =	vimm.f32 $0.0e+00;
	v13 =	vimm.f32 $0.0e+00  }
0x7d: {  	s2 =	smov.u32 s23;
	v15 =	vimm.f32 $0.0e+00;
	v17 =	vimm.f32 $0.0e+00;
	v18 =	vimm.f32 $0.0e+00  }
.LBB2_11:
0x7e: {  	s2 =	sadd.s32 @p1 $0x10, s2;
	s4 =	smov.u32 s23  }
0x7f: {  	v21 =	vld @p1 [tilespmem:s10+$0x0];
	s4 =	smov.u32 @p1 s2  }
0x80: {  	v22 =	vld @p1 [tilespmem:s11+$0x0];
	s2 =	sand.u32 $0xFFFFFF80, s4  }
0x81: {  	v23 =	vld @p1 [tilespmem:s5+$0x0];
	s4 =	sand.u32 $0x70, s4;
	s1 =	sadd.s32 s2, s1  }
0x82: {  	v24 =	vld @p1 [tilespmem:s12+$0x0];
	s10 =	sadd.s32 s2, s6;
	s1 =	sadd.s32 s4, s1  }
0x83: {  	s7 =	rddreg [dreg:$0x8];
	s3 =	sadd.s32 s2, s3;
	s11 =	sadd.s32 s4, s10;
	v25 =	vld [tilespmem:s1+$0x0]  }
0x84: {  	s12 =	sadd.s32 s2, s7;
	s3 =	sadd.s32 s4, s3;
	v26 =	vld [tilespmem:s11+$0x0]  }
0x85: {  	s0 =	sadd.s32 s2, s0;
	s5 =	sadd.s32 s4, s12;
	v27 =	vld [tilespmem:s3+$0x0]  }
0x86: {  	s19 =	sadd.s32 s2, s31;
	s0 =	sadd.s32 s4, s0;
	v28 =	vld [tilespmem:s5+$0x0]  }
0x87: {  	v10 =	vadd.f32 @p1 v14, v10;
	v9 =	vadd.f32 @p1 v16, v9;
	s15 =	sadd.s32 s2, s29;
	s20 =	sadd.s32 s2, s30;
	s30 =	sadd.s32 s4, s19;
	v59 =	vld [tilespmem:s0+$0x0]  }
0x88: {  	v12 =	vadd.f32 @p1 v19, v12;
	v11 =	vadd.f32 @p1 v20, v11;
	s1 =	sadd.s32 s4, s15;
	v60 =	vld [tilespmem:s30+$0x0]  }
0x89: {  	v10 =	vpsel p1, v10, v8;
	s31 =	sadd.s32 s4, s20;
	v13 =	vadd.f32 @p1 v21, v13;
	v15 =	vadd.f32 @p1 v22, v15;
	v16 =	vld [tilespmem:s1+$0x0]  }
0x8a: {  	v9 =	vpsel p1, v9, v8;
	v11 =	vpsel p1, v11, v8;
	v17 =	vadd.f32 @p1 v23, v17;
	v61 =	vld [tilespmem:s31+$0x0]  }
0x8b: {  	v18 =	vadd.f32 @p1 v24, v18;
	v62 =	vpsel p1, v13, v8;
	v63 =	vpsel p1, v15, v8  }
0x8c: {  	v17 =	vpsel p1, v17, v8;
	v10 =	vadd.f32 v25, v10;
	v14 =	vadd.f32 v26, v9  }
0x8d: {  	v9 =	vpsel p1, v12, v8;
	v12 =	vadd.f32 v28, v11;
	v11 =	vadd.f32 v59, v63  }
0x8e: {  	v8 =	vpsel p1, v18, v8;
	v13 =	vadd.f32 v27, v9;
	v15 =	vadd.f32 v16, v62  }
0x8f: {  	v9 =	vadd.f32 v60, v17;
	v8 =	vadd.f32 v61, v8  }
.LBB2_12:
0x90: {  	_ = 	snop  }
0x91: {  	s1 =	sshll.u32 s28, $0x3  }
0x92: {  	s0 =	sor.u32 $0x1, s1  }
0x93: {  	s2 =	sadd.s32 s24, s29;
	s3 =	sshll.u32 s0, $0x7  }
0x94: {  	s5 =	sadd.s32 s25, s29;
	v16 =	vld.idx.msk [tilespmem:v6+s2+$0x0 ss:$0x1], $0xffff;
	s4 =	sor.u32 $0x2, s1;
	s3 =	sand.u32 $0x3FFFFF80, s3  }
0x95: {  	v17 =	vld.idx.msk [tilespmem:v7+s5+$0x0 ss:$0x1], $0xffff;
	s5 =	sshll.u32 s4, $0x7;
	s6 =	sadd.s32 s24, s3  }
0x96: {  	s8 =	sand.u32 $0x3FFFFF80, s5;
	s5 =	sor.u32 $0x3, s1;
	s7 =	sadd.s32 s25, s3;
	v18 =	vld.idx.msk [tilespmem:v6+s6+$0x0 ss:$0x1], $0xffff  }
0x97: {  	s9 =	sadd.s32 s24, s8;
	v19 =	vld.idx.msk [tilespmem:v7+s7+$0x0 ss:$0x1], $0xffff;
	s6 =	sshll.u32 s5, $0x7  }
0x98: {  	s10 =	sadd.s32 s25, s8;
	v20 =	vld.idx.msk [tilespmem:v6+s9+$0x0 ss:$0x1], $0xffff;
	s11 =	sand.u32 $0x3FFFFF80, s6;
	s6 =	sor.u32 $0x4, s1  }
0x99: {  	v21 =	vld.idx.msk [tilespmem:v7+s10+$0x0 ss:$0x1], $0xffff;
	s12 =	sadd.s32 s24, s11;
	s7 =	sshll.u32 s6, $0x7  }
0x9a: {  	s15 =	sadd.s32 s25, s11;
	v22 =	vld.idx.msk [tilespmem:v6+s12+$0x0 ss:$0x1], $0xffff;
	s19 =	sand.u32 $0x3FFFFF80, s7;
	s7 =	sor.u32 $0x5, s1  }
0x9b: {  	v23 =	vor.u32 s1, v4;
	v45 =	vld.idx.msk [tilespmem:v7+s15+$0x0 ss:$0x1], $0xffff;
	s20 =	sadd.s32 s24, s19;
	s8 =	sshll.u32 s7, $0x7  }
0x9c: {  	v53 =	vor.u32 s0, v4;
	v25 =	vor.u32 s4, v4;
	v16 =	vnsel vm1, $0x0, v16;
	s29 =	sadd.s32 s25, s19;
	v46 =	vld.idx.msk [tilespmem:v6+s20+$0x0 ss:$0x1], $0xffff;
	s30 =	sand.u32 $0x3FFFFF80, s8;
	s8 =	sor.u32 $0x6, s1  }
0x9d: {  	v55 =	vor.u32 s5, v4;
	s10 =	sor.u32 $0x7, s1;
	v17 =	vnsel vm2, $0x0, v17;
	v15 =	vadd.f32 v16, v15;
	v49 =	vld.idx.msk [tilespmem:v7+s29+$0x0 ss:$0x1], $0xffff;
	s31 =	sadd.s32 s24, s30;
	s9 =	sshll.u32 s8, $0x7  }
0x9e: {  	v61 =	vor.u32 s10, v4;
	v27 =	vor.u32 s6, v4;
	s15 =	sshll.u32 s10, $0x7;
	v44 =	vnsel vm1, $0x0, v18;
	s11 =	sadd.s32 s25, s30;
	v50 =	vld.idx.msk [tilespmem:v6+s31+$0x0 ss:$0x1], $0xffff;
	s12 =	sand.u32 $0x3FFFFF80, s9  }
0x9f: {  	v15 =	vadd.f32 v17, v15;
	v48 =	vnsel vm1, $0x0, v20;
	s20 =	sand.u32 $0x3FFFFF80, s15;
	v14 =	vadd.f32 v44, v14;
	v51 =	vld.idx.msk [tilespmem:v7+s11+$0x0 ss:$0x1], $0xffff;
	s19 =	sadd.s32 s24, s12  }
0xa0: {  	v56 =	vor.u32 s7, v4;
	v47 =	vnsel vm2, $0x0, v19;
	v13 =	vadd.f32 v48, v13;
	s29 =	sadd.s32 s24, s20;
	v52 =	vld.idx.msk [tilespmem:v6+s19+$0x0 ss:$0x1], $0xffff  }
0xa1: {  	v21 =	vnsel vm2, $0x0, v21;
	v24 =	vld.idx.msk [tilespmem:v6+s29+$0x0 ss:$0x1], $0xffff;
	v14 =	vadd.f32 v47, v14;
	v22 =	vnsel vm1, $0x0, v22;
	s30 =	sadd.s32 s25, s12  }
0xa2: {  	v59 =	vor.u32 s8, v4;
	s31 =	sadd.s32 s25, s20;
	v13 =	vadd.f32 v21, v13;
	v12 =	vadd.f32 v22, v12;
	v54 =	vld.idx.msk [tilespmem:v7+s30+$0x0 ss:$0x1], $0xffff  }
0xa3: {  	v18 =	vnsel vm2, $0x0, v45;
	v26 =	vld.idx.msk [tilespmem:v7+s31+$0x0 ss:$0x1], $0xffff;
	v16 =	vnsel vm1, $0x0, v46;
	v20 =	vnsel vm2, $0x0, v49  }
0xa4: {  	[tilespmem:v23+s18+$0x0] =	vst.idx.msk $0xffff, v15;
	v12 =	vadd.f32 v18, v12;
	v10 =	vadd.f32 v16, v10;
	v17 =	vnsel vm1, $0x0, v50  }
0xa5: {  	s28 =	sadd.s32 $0x1, s28;
	[tilespmem:v53+s18+$0x0] =	vst.idx.msk $0xffff, v14;
	v57 =	vnsel vm2, $0x0, v51;
	v11 =	vadd.f32 v17, v11;
	v58 =	vnsel vm1, $0x0, v52  }
0xa6: {  	p1 =	sne.s32 s28, $0x8;
	[tilespmem:v25+s18+$0x0] =	vst.idx.msk $0xffff, v13;
	v60 =	vnsel vm1, $0x0, v24;
	v10 =	vadd.f32 v20, v10;
	v9 =	vadd.f32 v58, v9  }
.Ltmp6:
0xa7: {  	[tilespmem:v55+s18+$0x0] =	vst.idx.msk $0xffff, v12;
	v8 =	vadd.f32 v60, v8;
	v62 =	vnsel vm2, $0x0, v54;
	v11 =	vadd.f32 v57, v11;
	(pc) =	sbr.rel @!p1 .LBB2_13-.Ltmp6, $4  }
0xa8: {  	v63 =	vnsel vm2, $0x0, v26;
	[tilespmem:v27+s18+$0x0] =	vst.idx.msk $0xffff, v10;
	v9 =	vadd.f32 v62, v9  }
0xa9: {  	v8 =	vadd.f32 v63, v8;
	[tilespmem:v56+s18+$0x0] =	vst.idx.msk $0xffff, v11  }
0xaa: {  	[tilespmem:v59+s18+$0x0] =	vst.idx.msk $0xffff, v9  }
0xab: {  	[tilespmem:v61+s18+$0x0] =	vst.idx.msk $0xffff, v8  }
.LBB2_4:
.Ltmp7:
0xac: {  	(pc) =	sbr.rel @p0 .LBB2_12-.Ltmp7, $4  }
0xad: {  	_ = 	snop  }
0xae: {  	v5 =	vimm.f32 $0.0e+00;
	v15 =	vimm.f32 $0.0e+00;
	v14 =	vimm.f32 $0.0e+00  }
0xaf: {  	s0 =	sshll.u32 s28, $0xC;
	v13 =	vimm.f32 $0.0e+00;
	v12 =	vimm.f32 $0.0e+00;
	v10 =	vimm.f32 $0.0e+00  }
0xb0: {  	v11 =	vimm.f32 $0.0e+00;
	v9 =	vimm.f32 $0.0e+00;
	v8 =	vimm.f32 $0.0e+00;
	s29 =	sshrl.u32 s0, $0x2  }
0xb1: {  	s0 =	sadd.s32 $0x80, s29  }
0xb2: {  	s15 =	sadd.s32 $0x100, s29;
	[dreg:$0x6] =	wrdreg s0  }
0xb3: {  	s19 =	sadd.s32 $0x180, s29;
	p2 =	sne.s32 s26, $0x1;
	[dreg:$0x7] =	wrdreg s15  }
.Ltmp8:
0xb4: {  	s20 =	sadd.s32 $0x200, s29;
	[dreg:$0x8] =	wrdreg s19;
	(pc) =	sbr.rel @!p2 .LBB2_6-.Ltmp8, $4  }
0xb5: {  	[dreg:$0x9] =	wrdreg s20  }
0xb6: {  	s31 =	sadd.s32 $0x300, s29;
	s6 =	rddreg [dreg:$0x6]  }
0xb7: {  	s30 =	sadd.s32 $0x380, s29;
	s2 =	sadd.s32 $0xFFFFFFFF, s26;
	s3 =	rddreg [dreg:$0x7]  }
0xb8: {  	v8 =	vimm.f32 $0.0e+00;
	p1 =	por $0x0, $0x0;
	s0 =	sadd.s32 $0x280, s29;
	s1 =	rddreg [dreg:$0x9]  }
0xb9: {  	s5 =	rddreg [dreg:$0x8]  }
0xba: {  	p2 =	sne.s32 s2, $0x1;
	s7 =	rddreg [dreg:$0x6]  }
0xbb: {  	s8 =	sand.u32 $0xFFFFFF80, s23;
	s12 =	sand.u32 $0x70, s23;
	p1 =	por $0x1, $0x1  }
0xbc: {  	s6 =	sadd.s32 s8, s6;
	s1 =	sadd.s32 s8, s1;
	s3 =	sadd.s32 s8, s3  }
0xbd: {  	s5 =	sadd.s32 s8, s5;
	s10 =	sadd.s32 s8, s29;
	s11 =	sadd.s32 s8, s0  }
.Ltmp9:
0xbe: {  	s19 =	sadd.s32 s8, s31;
	s1 =	sadd.s32 s12, s1;
	(pc) =	sbr.rel @!p2 .LBB2_8-.Ltmp9, $4  }
0xbf: {  	s8 =	sadd.s32 s8, s30;
	s15 =	sadd.s32 s12, s6;
	s20 =	sadd.s32 s12, s3;
	v14 =	vld [tilespmem:s1+$0x0]  }
0xc0: {  	v10 =	vimm.f32 $0.0e+00;
	v9 =	vimm.f32 $0.0e+00;
	s10 =	sadd.s32 s12, s10;
	s9 =	sadd.s32 s12, s5;
	s11 =	sadd.s32 s12, s11;
	v16 =	vld [tilespmem:s15+$0x0]  }
0xc1: {  	v12 =	vimm.f32 $0.0e+00;
	v11 =	vimm.f32 $0.0e+00;
	v13 =	vimm.f32 $0.0e+00;
	s3 =	rddreg [dreg:$0x7];
	s5 =	sadd.s32 s12, s19;
	s12 =	sadd.s32 s12, s8;
	v19 =	vld [tilespmem:s20+$0x0]  }
0xc2: {  	v15 =	vimm.f32 $0.0e+00;
	v17 =	vimm.f32 $0.0e+00;
	v18 =	vimm.f32 $0.0e+00;
	s6 =	sadd.s32 $0xFFFFFFFF, s2;
	s2 =	smov.u32 s23;
	s1 =	rddreg [dreg:$0x9];
	v20 =	vld [tilespmem:s9+$0x0]  }
.LBB2_9:
0xc3: {  	p2 =	sne.s32 s6, $0x1;
	s8 =	rddreg [dreg:$0x8];
	v21 =	vld [tilespmem:s10+$0x0];
	s2 =	sadd.s32 $0x10, s2  }
0xc4: {  	s9 =	rddreg [dreg:$0x6];
	v22 =	vld [tilespmem:s11+$0x0];
	s6 =	sadd.s32 $0xFFFFFFFF, s6;
	s15 =	sand.u32 $0xFFFFFF80, s2  }
0xc5: {  	v23 =	vld [tilespmem:s5+$0x0];
	s19 =	sand.u32 $0x70, s2;
	s7 =	sadd.s32 s15, s7;
	s1 =	sadd.s32 s15, s1  }
0xc6: {  	v24 =	vld [tilespmem:s12+$0x0];
	s3 =	sadd.s32 s15, s3;
	s5 =	sadd.s32 s15, s8;
	s20 =	sadd.s32 s15, s29  }
.Ltmp10:
0xc7: {  	s11 =	sadd.s32 s15, s0;
	s1 =	sadd.s32 s19, s1;
	(pc) =	sbr.rel @p2 .LBB2_9-.Ltmp10, $4  }
0xc8: {  	s12 =	sadd.s32 s15, s31;
	s15 =	sadd.s32 s15, s30;
	s7 =	sadd.s32 s19, s7;
	v10 =	vadd.f32 v14, v10;
	v9 =	vadd.f32 v16, v9;
	v14 =	vld [tilespmem:s1+$0x0]  }
0xc9: {  	s4 =	sadd.s32 s19, s3;
	s10 =	sadd.s32 s19, s20;
	s20 =	sadd.s32 s19, s5;
	v12 =	vadd.f32 v19, v12;
	v11 =	vadd.f32 v20, v11;
	v16 =	vld [tilespmem:s7+$0x0]  }
0xca: {  	s11 =	sadd.s32 s19, s11;
	s3 =	rddreg [dreg:$0x7];
	s5 =	sadd.s32 s19, s12;
	v19 =	vld [tilespmem:s4+$0x0];
	v13 =	vadd.f32 v21, v13;
	v15 =	vadd.f32 v22, v15  }
0xcb: {  	s12 =	sadd.s32 s19, s15;
	s1 =	rddreg [dreg:$0x9];
	v20 =	vld [tilespmem:s20+$0x0];
	s7 =	smov.u32 s9;
	v17 =	vadd.f32 v23, v17;
	v18 =	vadd.f32 v24, v18  }
.Ltmp11:
0xcc: {  	(pc) =	sbr.rel .LBB2_11-.Ltmp11, $2  }
0xcd: {  	_ =	sdelay $0x2  }
0xce: {  	s6 =	smov.u32 s7  }
.LBB2_8:
.Ltmp12:
0xcf: {  	(pc) =	sbr.rel .LBB2_11-.Ltmp12, $4  }
0xd0: {  	_ = 	snop  }
0xd1: {  	v10 =	vimm.f32 $0.0e+00;
	v9 =	vimm.f32 $0.0e+00  }
0xd2: {  	v12 =	vimm.f32 $0.0e+00;
	v11 =	vimm.f32 $0.0e+00;
	v13 =	vimm.f32 $0.0e+00  }
0xd3: {  	s2 =	smov.u32 s23;
	s6 =	smov.u32 s7;
	v15 =	vimm.f32 $0.0e+00;
	v17 =	vimm.f32 $0.0e+00;
	v18 =	vimm.f32 $0.0e+00  }
.LBB2_13:
0xd4: {  	s1 =	simm.s32 $0x0  }
0xd5: {  	v6 =	vld [tilespmem:s1+$0x4830]  }
0xd6: {  	v9 =	vld [tilespmem:s1+$0x4800]  }
0xd7: {  	v7 =	vld [tilespmem:s1+$0x4810]  }
0xd8: {  	s0 =	simm.s32 $0x100;
	v12 =	vimm.f32 $0.0e+00;
	v11 =	vimm.f32 $0.0e+00;
	v10 =	vimm.f32 $0.0e+00;
	v8 =	vld [tilespmem:s1+$0x4820]  }
.LBB2_14:
0xd9: {  	p0 =	sne.s32 s0, $0xF00  }
.Ltmp13:
0xda: {  	s1 =	sshra.s32 s0, $0x2;
	s0 =	sadd.s32 $0x100, s0;
	v5 =	vadd.f32 v6, v5;
	(pc) =	sbr.rel @p0 .LBB2_14-.Ltmp13, $4  }
0xdb: {  	v6 =	vld [tilespmem:s1+$0x4830];
	v12 =	vadd.f32 v9, v12  }
0xdc: {  	v9 =	vld [tilespmem:s1+$0x4800];
	v11 =	vadd.f32 v7, v11  }
0xdd: {  	v7 =	vld [tilespmem:s1+$0x4810];
	v10 =	vadd.f32 v8, v10  }
0xde: {  	v8 =	vld [tilespmem:s1+$0x4820]  }
0xdf: {  	_ = 	snop  }
0xe0: {  	s0 =	sshll.u32 s22, $0x7;
	v5 =	vadd.f32 v6, v5  }
.Ltmp14:
0xe1: {  	s0 =	sand.u32 $0x3FFFFF80, s0;
	v9 =	vadd.f32 v9, v12;
	(pc) =	sbr.rel .LBB2_16-.Ltmp14, $4  }
0xe2: {  	v7 =	vadd.f32 v7, v11;
	[tilespmem:s0+$0x4030] =	vst v5  }
0xe3: {  	v8 =	vadd.f32 v8, v10;
	[tilespmem:s0+$0x4000] =	vst v9  }
0xe4: {  	[tilespmem:s0+$0x4010] =	vst v7  }
0xe5: {  	[tilespmem:s0+$0x4020] =	vst v8  }
.LBB2_17:
0xe6: {  	s22 =	simm.s32 $0x0;
	s0 =	rddreg [dreg:$0x10];
	s1 =	simm.s32 $0x4000  }
0xe7: {  	[hbm4b:s0+s22] =	stream.linear.scatter [tilespmem:s1], [sflag:$0x3], $0x800, $0x38;
	[tilespmem:$0x4D80] =	vst v63  }
0xe8: {  	_ =	swait.ge [sflag:s14], $0x800  }
0xe9: {  	[sflag:s14] =	ssyncset.done $0x0  }
0xea: {  	[sflag:s14] =	ssyncadd.s32 $0xFFFFF800  }
0xeb: {  	s30 =	rddreg [dreg:$0x3]  }
0xec: {  	[tilespmem:s13], [sflag:$0x3] =	stream.linear.gather [hbm4b:s30+s22], $0x80, $0x38;
	[tilespmem:$0x4D80] =	vst v63  }
0xed: {  	_ =	swait.ge [sflag:s14], $0x80  }
0xee: {  	[sflag:s14] =	ssyncset.done $0x0  }
0xef: {  	[sflag:s14] =	ssyncadd.s32 $0xFFFFFF80  }
0xf0: {  	v5 =	vld.idx.msk [tilespmem:v0+s13+$0x0], $0xffff  }
0xf1: {  	v6 =	vld.idx.msk [tilespmem:v2+s13+$0x0], $0xffff;
	[tilespmem:$0x4000] =	vst v3  }
0xf2: {  	[tilespmem:$0x4010] =	vst v3  }
0xf3: {  	[tilespmem:$0x4020] =	vst v3  }
0xf4: {  	[tilespmem:$0x4030] =	vst v3  }
0xf5: {  	[tilespmem:$0x4080] =	vst v3  }
0xf6: {  	[tilespmem:$0x4090] =	vst v3  }
0xf7: {  	[tilespmem:$0x40A0] =	vst v3  }
0xf8: {  	[tilespmem:$0x40B0] =	vst v3  }
0xf9: {  	[tilespmem:$0x4100] =	vst v3  }
0xfa: {  	[tilespmem:$0x4110] =	vst v3  }
0xfb: {  	[tilespmem:$0x4120] =	vst v3  }
0xfc: {  	[tilespmem:$0x4130] =	vst v3  }
0xfd: {  	[tilespmem:$0x4180] =	vst v3  }
0xfe: {  	[tilespmem:$0x4190] =	vst v3  }
0xff: {  	[tilespmem:$0x41A0] =	vst v3  }
0x100: {  	[tilespmem:$0x41B0] =	vst v3  }
0x101: {  	[tilespmem:$0x4200] =	vst v3  }
0x102: {  	[tilespmem:$0x4210] =	vst v3  }
0x103: {  	[tilespmem:$0x4220] =	vst v3  }
0x104: {  	[tilespmem:$0x4230] =	vst v3  }
0x105: {  	[tilespmem:$0x4280] =	vst v3  }
0x106: {  	[tilespmem:$0x4290] =	vst v3  }
0x107: {  	[tilespmem:$0x42A0] =	vst v3  }
0x108: {  	[tilespmem:$0x42B0] =	vst v3  }
0x109: {  	[tilespmem:$0x4300] =	vst v3  }
0x10a: {  	[tilespmem:$0x4310] =	vst v3  }
0x10b: {  	[tilespmem:$0x4320] =	vst v3  }
0x10c: {  	[tilespmem:$0x4330] =	vst v3  }
0x10d: {  	[tilespmem:$0x4380] =	vst v3  }
0x10e: {  	[tilespmem:$0x4390] =	vst v3  }
0x10f: {  	[tilespmem:$0x43A0] =	vst v3  }
0x110: {  	[tilespmem:$0x43B0] =	vst v3  }
0x111: {  	[tilespmem:$0x4400] =	vst v3  }
0x112: {  	[tilespmem:$0x4410] =	vst v3  }
0x113: {  	[tilespmem:$0x4420] =	vst v3  }
0x114: {  	[tilespmem:$0x4430] =	vst v3  }
0x115: {  	[tilespmem:$0x4480] =	vst v3  }
0x116: {  	[tilespmem:$0x4490] =	vst v3  }
0x117: {  	[tilespmem:$0x44A0] =	vst v3  }
0x118: {  	[tilespmem:$0x44B0] =	vst v3  }
0x119: {  	[tilespmem:$0x4500] =	vst v3  }
0x11a: {  	[tilespmem:$0x4510] =	vst v3  }
0x11b: {  	[tilespmem:$0x4520] =	vst v3  }
0x11c: {  	[tilespmem:$0x4530] =	vst v3  }
0x11d: {  	[tilespmem:$0x4580] =	vst v3  }
0x11e: {  	[tilespmem:$0x4590] =	vst v3  }
0x11f: {  	[tilespmem:$0x45A0] =	vst v3  }
0x120: {  	[tilespmem:$0x45B0] =	vst v3  }
0x121: {  	[tilespmem:$0x4600] =	vst v3  }
0x122: {  	[tilespmem:$0x4610] =	vst v3  }
0x123: {  	[tilespmem:$0x4620] =	vst v3  }
0x124: {  	[tilespmem:$0x4630] =	vst v3  }
0x125: {  	[tilespmem:$0x4680] =	vst v3  }
0x126: {  	[tilespmem:$0x4690] =	vst v3  }
0x127: {  	[tilespmem:$0x46A0] =	vst v3  }
0x128: {  	[tilespmem:$0x46B0] =	vst v3  }
0x129: {  	[tilespmem:$0x4700] =	vst v3  }
0x12a: {  	[tilespmem:$0x4710] =	vst v3  }
0x12b: {  	[tilespmem:$0x4720] =	vst v3  }
0x12c: {  	[tilespmem:$0x4730] =	vst v3  }
0x12d: {  	[tilespmem:$0x4780] =	vst v3;
	v5 =	vsub.s32 v5, v1  }
0x12e: {  	[tilespmem:$0x4790] =	vst v3;
	v6 =	vsub.s32 v6, v1;
	vm1 =	vgt.s32 v5, $0x0  }
0x12f: {  	[tilespmem:$0x47A0] =	vst v3;
	v5 =	vnsel vm1, $0x0, v5;
	vm1 =	vgt.s32 v6, $0x0  }
0x130: {  	[tilespmem:$0x47B0] =	vst v3;
	v5 =	vmin.u32 v5, $0x80;
	v6 =	vnsel vm1, $0x0, v6  }
.Ltmp15:
0x131: {  	[tilespmem:$0x4C80] =	vst v5;
	v5 =	vmin.u32 v6, $0x80;
	(pc) =	sbr.rel .LBB2_18-.Ltmp15, $4  }
0x132: {  	s31 =	simm.s32 $0x2;
	[tilespmem:$0x4D00] =	vst v5  }
0x133: {  	_ =	swait.ge [sflag:s31], $0x2000  }
0x134: {  	[sflag:s31] =	ssyncset.done $0x0  }
0x135: {  	[sflag:s31] =	ssyncadd.s32 $0xFFFFE000  }
.LBB2_32:
0x136: {  	s22 =	sadd.s32 $0x1, s22  }
0x137: {  	p0 =	sne.s32 s22, $0x10  }
.Ltmp16:
0x138: {  	_ = 	snop;
	(pc) =	sbr.rel @!p0 .LBB2_33-.Ltmp16, $1  }
0x139: {  	_ =	sdelay $0x3  }
.LBB2_18:
0x13a: {  	v6 =	vmov s22;
	_ =	sdelay $0x4  }
0x13b: {  	v5 =	vld.idx.msk [tilespmem:v6+s16+$0x0], $0xffff  }
0x13c: {  	v6 =	vld.idx.msk [tilespmem:v6+s17+$0x0], $0xffff;
	_ =	sdelay $0x3  }
0x13d: {  	(v2sf) =	vpush v5, $0x0  }
0x13e: {  	(v2sf) =	vpush v6, $0x0;
	_ =	sdelay $0xd  }
0x13f: {  	s0 =	spop (v2sf)  }
0x140: {  	s1 =	spop (v2sf)  }
0x141: {  	p0 =	sle.s32 s1, s0  }
.Ltmp17:
0x142: {  	_ = 	snop;
	(pc) =	sbr.rel @p0 .LBB2_32-.Ltmp17, $1  }
0x143: {  	_ =	sdelay $0x3  }
0x144: {  	s2 =	sand.u32 $0xFFFFFFF0, s0;
	v5 =	vbroadcast v5, $0x0;
	v6 =	vbroadcast v6, $0x0  }
0x145: {  	s3 =	sadd.s32 $0xF, s0;
	s4 =	sand.u32 $0xFFFFFFF0, s1;
	s23 =	sshrl.u32 s1, $0x4;
	vm5 =	vmmov vm0;
	v7 =	vor.u32 s2, v0  }
.Ltmp18:
0x146: {  	s29 =	sshrl.u32 s0, $0x4;
	v8 =	vor.u32 s4, v0;
	s12 =	sand.u32 $0xFFFFFFF0, s3;
	vm1 =	vge.s32 v7, v5;
	vm2 =	vlt.s32 v7, v6;
	(pc) =	sbr.rel .LBB2_20-.Ltmp18, $4  }
0x147: {  	s24 =	sand.u32 $0xFFFFFF80, s0;
	p0 =	slt.s32 s4, $0x70;
	s5 =	smov.u32 s4;
	vm3 =	vge.s32 v7, s4;
	vm1 =	vmand vm1, vm2;
	vm2 =	vlt.s32 v7, s12  }
0x148: {  	s30 =	sand.u32 $0x70, s0;
	s5 =	simm.s32 @!p0 $0x70;
	vm4 =	vlt.s32 v8, v6;
	p0 =	sne.s32 s23, s29;
	vm2 =	vmor vm2, vm3;
	vm3 =	vge.s32 v8, v5  }
0x149: {  	s28 =	simm.s32 $0x0;
	s20 =	sshrl.u32 s3, $0x4;
	vm5 =	vmneg @p0 vm5;
	s31 =	sand.u32 $0x70, s5;
	vm1 =	vmand vm1, vm2;
	vm2 =	vmand vm3, vm4  }
0x14a: {  	s26 =	ssub.s32 s23, s20;
	v6 =	vmov s30;
	s25 =	sand.u32 $0xFFFFFF80, s5;
	p0 =	sle.u32 s23, s20;
	v7 =	vmov s31;
	vm2 =	vmand vm5, vm2  }
.LBB2_22:
0x14b: {  	v10 =	vimm.f32 $0.0e+00;
	v9 =	vimm.f32 $0.0e+00  }
0x14c: {  	v12 =	vimm.f32 $0.0e+00;
	v11 =	vimm.f32 $0.0e+00;
	v13 =	vimm.f32 $0.0e+00  }
0x14d: {  	s23 =	smov.u32 s12;
	v16 =	vimm.f32 $0.0e+00;
	v17 =	vimm.f32 $0.0e+00;
	v18 =	vimm.f32 $0.0e+00  }
.LBB2_27:
0x14e: {  	s4 =	sadd.s32 @p1 $0x10, s23;
	s8 =	smov.u32 s12  }
0x14f: {  	v21 =	vld @p1 [tilespmem:s6+$0x0];
	s8 =	smov.u32 @p1 s4  }
0x150: {  	v22 =	vld @p1 [tilespmem:s11+$0x0];
	s4 =	sand.u32 $0xFFFFFF80, s8  }
0x151: {  	v23 =	vld @p1 [tilespmem:s5+$0x0];
	s8 =	sand.u32 $0x70, s8;
	s2 =	sadd.s32 s4, s2  }
0x152: {  	v24 =	vld @p1 [tilespmem:s10+$0x0];
	s9 =	sadd.s32 s4, s7;
	s2 =	sadd.s32 s8, s2  }
0x153: {  	s23 =	rddreg [dreg:$0xc];
	s1 =	sadd.s32 s4, s1;
	s10 =	sadd.s32 s8, s9;
	v25 =	vld [tilespmem:s2+$0x0]  }
0x154: {  	s11 =	sadd.s32 s4, s23;
	s1 =	sadd.s32 s8, s1;
	v26 =	vld [tilespmem:s10+$0x0]  }
0x155: {  	s15 =	sadd.s32 s4, s3;
	s19 =	sadd.s32 s8, s11;
	v27 =	vld [tilespmem:s1+$0x0]  }
0x156: {  	s0 =	sadd.s32 s4, s0;
	s20 =	sadd.s32 s8, s15;
	v28 =	vld [tilespmem:s19+$0x0]  }
0x157: {  	v10 =	vadd.f32 @p1 v14, v10;
	v9 =	vadd.f32 @p1 v15, v9;
	s30 =	sadd.s32 s4, s30;
	s0 =	sadd.s32 s8, s0;
	v60 =	vld [tilespmem:s20+$0x0]  }
0x158: {  	v12 =	vadd.f32 @p1 v19, v12;
	v15 =	vadd.f32 @p1 v20, v11;
	s23 =	sadd.s32 s4, s31;
	s31 =	sadd.s32 s8, s30;
	v61 =	vld [tilespmem:s0+$0x0]  }
0x159: {  	v10 =	vpsel p1, v10, v8;
	s2 =	sadd.s32 s8, s23;
	v16 =	vadd.f32 @p1 v22, v16;
	v17 =	vadd.f32 @p1 v23, v17;
	v63 =	vld [tilespmem:s31+$0x0]  }
0x15a: {  	v9 =	vpsel p1, v9, v8;
	v13 =	vadd.f32 @p1 v21, v13;
	v18 =	vadd.f32 @p1 v24, v18;
	v62 =	vld [tilespmem:s2+$0x0]  }
0x15b: {  	v16 =	vpsel p1, v16, v8;
	v17 =	vpsel p1, v17, v8;
	v11 =	vadd.f32 v25, v10  }
0x15c: {  	v14 =	vadd.f32 v26, v9;
	v9 =	vpsel p1, v12, v8;
	v10 =	vpsel p1, v15, v8  }
0x15d: {  	v12 =	vpsel p1, v13, v8;
	v15 =	vadd.f32 v27, v9;
	v13 =	vadd.f32 v28, v10  }
0x15e: {  	v8 =	vpsel p1, v18, v8;
	v12 =	vadd.f32 v60, v12;
	v10 =	vadd.f32 v61, v16  }
0x15f: {  	v9 =	vadd.f32 v62, v17;
	v8 =	vadd.f32 v63, v8  }
.LBB2_28:
0x160: {  	s5 =	sshll.u32 s28, $0x3  }
0x161: {  	s0 =	sor.u32 $0x1, s5  }
0x162: {  	s1 =	sshll.u32 s0, $0x7  }
0x163: {  	s1 =	sand.u32 $0x3FFFFF80, s1  }
0x164: {  	s2 =	sadd.s32 s24, s29;
	s3 =	sadd.s32 $0x2000, s1;
	s1 =	sor.u32 $0x2, s5  }
0x165: {  	s29 =	sadd.s32 s25, s29;
	v16 =	vld.idx.msk [tilespmem:v6+s2+$0x0 ss:$0x1], $0xffff;
	s2 =	sor.u32 $0x3, s5;
	s6 =	sshll.u32 s1, $0x7  }
0x166: {  	v17 =	vld.idx.msk [tilespmem:v7+s29+$0x0 ss:$0x1], $0xffff;
	s8 =	sshll.u32 s2, $0x7;
	s4 =	sadd.s32 s24, s3;
	s30 =	sand.u32 $0x3FFFFF80, s6  }
0x167: {  	s7 =	sadd.s32 s25, s3;
	s3 =	sor.u32 $0x4, s5;
	v18 =	vld.idx.msk [tilespmem:v6+s4+$0x0 ss:$0x1], $0xffff;
	s31 =	sadd.s32 $0x2000, s30  }
0x168: {  	v19 =	vld.idx.msk [tilespmem:v7+s7+$0x0 ss:$0x1], $0xffff;
	s6 =	sand.u32 $0x3FFFFF80, s8;
	s8 =	sshll.u32 s3, $0x7;
	s9 =	sadd.s32 s24, s31  }
0x169: {  	s6 =	sadd.s32 $0x2000, s6;
	s10 =	sand.u32 $0x3FFFFF80, s8;
	s4 =	sadd.s32 s25, s31;
	v20 =	vld.idx.msk [tilespmem:v6+s9+$0x0 ss:$0x1], $0xffff  }
0x16a: {  	s8 =	sor.u32 $0x5, s5;
	s11 =	sadd.s32 s24, s6;
	s7 =	sadd.s32 $0x2000, s10;
	v21 =	vld.idx.msk [tilespmem:v7+s4+$0x0 ss:$0x1], $0xffff  }
0x16b: {  	s15 =	sadd.s32 s25, s6;
	s10 =	sor.u32 $0x7, s5;
	v22 =	vld.idx.msk [tilespmem:v6+s11+$0x0 ss:$0x1], $0xffff;
	s9 =	sshll.u32 s8, $0x7  }
0x16c: {  	v51 =	vor.u32 s5, v4;
	s19 =	sadd.s32 s24, s7;
	v43 =	vld.idx.msk [tilespmem:v7+s15+$0x0 ss:$0x1], $0xffff;
	s23 =	sand.u32 $0x3FFFFF80, s9;
	s9 =	sor.u32 $0x6, s5  }
0x16d: {  	v53 =	vor.u32 s0, v4;
	v55 =	vor.u32 s2, v4;
	v16 =	vnsel vm1, $0x0, v16;
	s20 =	sadd.s32 s25, s7;
	v44 =	vld.idx.msk [tilespmem:v6+s19+$0x0 ss:$0x1], $0xffff;
	s29 =	sadd.s32 $0x2000, s23;
	s30 =	sshll.u32 s9, $0x7  }
0x16e: {  	v25 =	vor.u32 s1, v4;
	v17 =	vnsel vm2, $0x0, v17;
	v14 =	vadd.f32 v16, v14;
	s11 =	sshll.u32 s10, $0x7;
	v47 =	vld.idx.msk [tilespmem:v7+s20+$0x0 ss:$0x1], $0xffff;
	s31 =	sadd.s32 s24, s29;
	s7 =	sand.u32 $0x3FFFFF80, s30  }
0x16f: {  	v27 =	vor.u32 s3, v4;
	v56 =	vor.u32 s8, v4;
	s19 =	sand.u32 $0x3FFFFF80, s11;
	v42 =	vnsel vm1, $0x0, v18;
	s6 =	sadd.s32 s25, s29;
	v23 =	vld.idx.msk [tilespmem:v6+s31+$0x0 ss:$0x1], $0xffff;
	s15 =	sadd.s32 $0x2000, s7  }
0x170: {  	v14 =	vadd.f32 v17, v14;
	v61 =	vor.u32 s10, v4;
	s23 =	sadd.s32 $0x2000, s19;
	v15 =	vadd.f32 v42, v15;
	v48 =	vld.idx.msk [tilespmem:v7+s6+$0x0 ss:$0x1], $0xffff;
	s20 =	sadd.s32 s24, s15  }
0x171: {  	v45 =	vnsel vm2, $0x0, v19;
	v59 =	vor.u32 s9, v4;
	s29 =	sadd.s32 s24, s23;
	v46 =	vnsel vm1, $0x0, v20;
	v52 =	vld.idx.msk [tilespmem:v6+s20+$0x0 ss:$0x1], $0xffff  }
0x172: {  	v24 =	vld.idx.msk [tilespmem:v6+s29+$0x0 ss:$0x1], $0xffff;
	v15 =	vadd.f32 v45, v15;
	v49 =	vnsel vm2, $0x0, v21;
	v50 =	vnsel vm1, $0x0, v22;
	s30 =	sadd.s32 s25, s15  }
0x173: {  	s31 =	sadd.s32 s25, s23;
	v13 =	vadd.f32 v46, v13;
	v11 =	vadd.f32 v50, v11;
	v16 =	vnsel vm1, $0x0, v44;
	v54 =	vld.idx.msk [tilespmem:v7+s30+$0x0 ss:$0x1], $0xffff  }
0x174: {  	v18 =	vnsel vm2, $0x0, v43;
	v26 =	vld.idx.msk [tilespmem:v7+s31+$0x0 ss:$0x1], $0xffff;
	v20 =	vnsel vm2, $0x0, v47;
	v12 =	vadd.f32 v16, v12  }
0x175: {  	[tilespmem:v51+s18+$0x0] =	vst.idx.msk $0xffff, v14;
	v13 =	vadd.f32 v49, v13;
	v11 =	vadd.f32 v18, v11;
	v23 =	vnsel vm1, $0x0, v23  }
0x176: {  	s28 =	sadd.s32 $0x1, s28;
	[tilespmem:v53+s18+$0x0] =	vst.idx.msk $0xffff, v15;
	v12 =	vadd.f32 v20, v12;
	v10 =	vadd.f32 v23, v10;
	v58 =	vnsel vm1, $0x0, v52  }
0x177: {  	p1 =	sne.s32 s28, $0x8;
	v57 =	vnsel vm2, $0x0, v48;
	v60 =	vnsel vm1, $0x0, v24;
	[tilespmem:v25+s18+$0x0] =	vst.idx.msk $0xffff, v13;
	v9 =	vadd.f32 v58, v9  }
.Ltmp19:
0x178: {  	v8 =	vadd.f32 v60, v8;
	[tilespmem:v55+s18+$0x0] =	vst.idx.msk $0xffff, v11;
	v62 =	vnsel vm2, $0x0, v54;
	v10 =	vadd.f32 v57, v10;
	(pc) =	sbr.rel @!p1 .LBB2_29-.Ltmp19, $4  }
0x179: {  	v63 =	vnsel vm2, $0x0, v26;
	[tilespmem:v27+s18+$0x0] =	vst.idx.msk $0xffff, v12;
	v9 =	vadd.f32 v62, v9  }
0x17a: {  	v8 =	vadd.f32 v63, v8;
	[tilespmem:v56+s18+$0x0] =	vst.idx.msk $0xffff, v10  }
0x17b: {  	[tilespmem:v59+s18+$0x0] =	vst.idx.msk $0xffff, v9  }
0x17c: {  	[tilespmem:v61+s18+$0x0] =	vst.idx.msk $0xffff, v8  }
.LBB2_20:
.Ltmp20:
0x17d: {  	(pc) =	sbr.rel @p0 .LBB2_28-.Ltmp20, $4  }
0x17e: {  	_ = 	snop  }
0x17f: {  	s0 =	sshll.u32 s28, $0xC;
	v5 =	vimm.f32 $0.0e+00;
	v14 =	vimm.f32 $0.0e+00;
	v15 =	vimm.f32 $0.0e+00  }
0x180: {  	v13 =	vimm.f32 $0.0e+00;
	v11 =	vimm.f32 $0.0e+00;
	v12 =	vimm.f32 $0.0e+00;
	s1 =	sshrl.u32 s0, $0x2  }
0x181: {  	v10 =	vimm.f32 $0.0e+00;
	v9 =	vimm.f32 $0.0e+00;
	v8 =	vimm.f32 $0.0e+00;
	s29 =	sadd.s32 $0x2000, s1  }
0x182: {  	[dreg:$0xa] =	wrdreg s29;
	s0 =	sadd.s32 $0x2080, s1  }
0x183: {  	s20 =	sadd.s32 $0x2100, s1;
	p2 =	sne.s32 s26, $0x1;
	[dreg:$0xb] =	wrdreg s0  }
.Ltmp21:
0x184: {  	s23 =	sadd.s32 $0x2180, s1;
	[dreg:$0xc] =	wrdreg s20;
	(pc) =	sbr.rel @!p2 .LBB2_22-.Ltmp21, $4  }
0x185: {  	[dreg:$0xd] =	wrdreg s23  }
0x186: {  	s3 =	sadd.s32 $0x2200, s1;
	s31 =	sadd.s32 $0x2300, s1;
	s7 =	rddreg [dreg:$0xa]  }
0x187: {  	s30 =	sadd.s32 $0x2380, s1;
	s0 =	sadd.s32 $0x2280, s1;
	s1 =	rddreg [dreg:$0xb]  }
0x188: {  	v8 =	vimm.f32 $0.0e+00;
	p1 =	por $0x0, $0x0;
	s23 =	sadd.s32 $0xFFFFFFFF, s26;
	s2 =	rddreg [dreg:$0xd]  }
0x189: {  	s4 =	rddreg [dreg:$0xc]  }
0x18a: {  	p2 =	sne.s32 s23, $0x1;
	s8 =	rddreg [dreg:$0xa]  }
0x18b: {  	s5 =	sand.u32 $0xFFFFFF80, s12;
	s9 =	sand.u32 $0x70, s12;
	p1 =	por $0x1, $0x1  }
0x18c: {  	s6 =	sadd.s32 s5, s7;
	s2 =	sadd.s32 s5, s2;
	s1 =	sadd.s32 s5, s1  }
0x18d: {  	s4 =	sadd.s32 s5, s4;
	s7 =	sadd.s32 s5, s3;
	s10 =	sadd.s32 s5, s0  }
.Ltmp22:
0x18e: {  	s15 =	sadd.s32 s5, s31;
	s2 =	sadd.s32 s9, s2;
	(pc) =	sbr.rel @!p2 .LBB2_24-.Ltmp22, $4  }
0x18f: {  	s20 =	sadd.s32 s5, s30;
	s11 =	sadd.s32 s9, s6;
	s19 =	sadd.s32 s9, s1;
	v14 =	vld [tilespmem:s2+$0x0]  }
0x190: {  	v10 =	vimm.f32 $0.0e+00;
	v9 =	vimm.f32 $0.0e+00;
	s4 =	sadd.s32 s9, s4;
	s6 =	sadd.s32 s9, s7;
	s1 =	rddreg [dreg:$0xb];
	v15 =	vld [tilespmem:s11+$0x0]  }
0x191: {  	v12 =	vimm.f32 $0.0e+00;
	v11 =	vimm.f32 $0.0e+00;
	v13 =	vimm.f32 $0.0e+00;
	s5 =	sadd.s32 s9, s15;
	s7 =	sadd.s32 $0xFFFFFFFF, s23;
	s23 =	smov.u32 s12;
	v19 =	vld [tilespmem:s19+$0x0]  }
0x192: {  	v16 =	vimm.f32 $0.0e+00;
	v17 =	vimm.f32 $0.0e+00;
	v18 =	vimm.f32 $0.0e+00;
	s11 =	sadd.s32 s9, s10;
	s10 =	sadd.s32 s9, s20;
	s2 =	rddreg [dreg:$0xd];
	v20 =	vld [tilespmem:s4+$0x0]  }
.LBB2_25:
0x193: {  	p2 =	sne.s32 s7, $0x1;
	s4 =	rddreg [dreg:$0xc];
	v21 =	vld [tilespmem:s6+$0x0];
	s23 =	sadd.s32 $0x10, s23  }
0x194: {  	s9 =	rddreg [dreg:$0xa];
	v22 =	vld [tilespmem:s11+$0x0];
	s7 =	sadd.s32 $0xFFFFFFFF, s7;
	s20 =	sand.u32 $0xFFFFFF80, s23  }
0x195: {  	v23 =	vld [tilespmem:s5+$0x0];
	s15 =	sand.u32 $0x70, s23;
	s8 =	sadd.s32 s20, s8;
	s2 =	sadd.s32 s20, s2  }
0x196: {  	v24 =	vld [tilespmem:s10+$0x0];
	s1 =	sadd.s32 s20, s1;
	s4 =	sadd.s32 s20, s4;
	s5 =	sadd.s32 s20, s3  }
.Ltmp23:
0x197: {  	s11 =	sadd.s32 s20, s0;
	s2 =	sadd.s32 s15, s2;
	(pc) =	sbr.rel @p2 .LBB2_25-.Ltmp23, $4  }
0x198: {  	s10 =	sadd.s32 s20, s31;
	s20 =	sadd.s32 s20, s30;
	s8 =	sadd.s32 s15, s8;
	v10 =	vadd.f32 v14, v10;
	v9 =	vadd.f32 v15, v9;
	v14 =	vld [tilespmem:s2+$0x0]  }
0x199: {  	s19 =	sadd.s32 s15, s1;
	s4 =	sadd.s32 s15, s4;
	s6 =	sadd.s32 s15, s5;
	v12 =	vadd.f32 v19, v12;
	v11 =	vadd.f32 v20, v11;
	v15 =	vld [tilespmem:s8+$0x0]  }
0x19a: {  	s11 =	sadd.s32 s15, s11;
	s1 =	rddreg [dreg:$0xb];
	s5 =	sadd.s32 s15, s10;
	v19 =	vld [tilespmem:s19+$0x0];
	v13 =	vadd.f32 v21, v13;
	v16 =	vadd.f32 v22, v16  }
0x19b: {  	s10 =	sadd.s32 s15, s20;
	s2 =	rddreg [dreg:$0xd];
	v20 =	vld [tilespmem:s4+$0x0];
	s8 =	smov.u32 s9;
	v17 =	vadd.f32 v23, v17;
	v18 =	vadd.f32 v24, v18  }
.Ltmp24:
0x19c: {  	(pc) =	sbr.rel .LBB2_27-.Ltmp24, $2  }
0x19d: {  	_ =	sdelay $0x2  }
0x19e: {  	s7 =	smov.u32 s8  }
.LBB2_24:
.Ltmp25:
0x19f: {  	(pc) =	sbr.rel .LBB2_27-.Ltmp25, $4  }
0x1a0: {  	_ = 	snop  }
0x1a1: {  	v10 =	vimm.f32 $0.0e+00;
	v9 =	vimm.f32 $0.0e+00  }
0x1a2: {  	v12 =	vimm.f32 $0.0e+00;
	v11 =	vimm.f32 $0.0e+00;
	v13 =	vimm.f32 $0.0e+00  }
0x1a3: {  	s23 =	smov.u32 s12;
	s7 =	smov.u32 s8;
	v16 =	vimm.f32 $0.0e+00;
	v17 =	vimm.f32 $0.0e+00;
	v18 =	vimm.f32 $0.0e+00  }
.LBB2_29:
0x1a4: {  	s1 =	simm.s32 $0x0  }
0x1a5: {  	v6 =	vld [tilespmem:s1+$0x4830]  }
0x1a6: {  	v9 =	vld [tilespmem:s1+$0x4800]  }
0x1a7: {  	v7 =	vld [tilespmem:s1+$0x4810]  }
0x1a8: {  	s0 =	simm.s32 $0x100;
	v12 =	vimm.f32 $0.0e+00;
	v11 =	vimm.f32 $0.0e+00;
	v10 =	vimm.f32 $0.0e+00;
	v8 =	vld [tilespmem:s1+$0x4820]  }
.LBB2_30:
0x1a9: {  	p0 =	sne.s32 s0, $0xF00  }
.Ltmp26:
0x1aa: {  	s1 =	sshra.s32 s0, $0x2;
	s0 =	sadd.s32 $0x100, s0;
	v5 =	vadd.f32 v6, v5;
	(pc) =	sbr.rel @p0 .LBB2_30-.Ltmp26, $4  }
0x1ab: {  	v6 =	vld [tilespmem:s1+$0x4830];
	v12 =	vadd.f32 v9, v12  }
0x1ac: {  	v9 =	vld [tilespmem:s1+$0x4800];
	v11 =	vadd.f32 v7, v11  }
0x1ad: {  	v7 =	vld [tilespmem:s1+$0x4810];
	v10 =	vadd.f32 v8, v10  }
0x1ae: {  	v8 =	vld [tilespmem:s1+$0x4820]  }
0x1af: {  	_ = 	snop  }
0x1b0: {  	s0 =	sshll.u32 s22, $0x7;
	v5 =	vadd.f32 v6, v5  }
.Ltmp27:
0x1b1: {  	s0 =	sand.u32 $0x3FFFFF80, s0;
	v9 =	vadd.f32 v9, v12;
	(pc) =	sbr.rel .LBB2_32-.Ltmp27, $4  }
0x1b2: {  	v7 =	vadd.f32 v7, v11;
	[tilespmem:s0+$0x4030] =	vst v5  }
0x1b3: {  	v8 =	vadd.f32 v8, v10;
	[tilespmem:s0+$0x4000] =	vst v9  }
0x1b4: {  	[tilespmem:s0+$0x4010] =	vst v7  }
0x1b5: {  	[tilespmem:s0+$0x4020] =	vst v8  }
.LBB2_34:
0x1b6: {  	_ =	sfence.sel $0x180000  }
0x1b7: {  	[bflag:$0x0] =	sbarrier.arrive $0xFFFF  }
0x1b8: {  	_ =	strace $0x90000047  }
0x1b9: {  	s0 =	stileid.u32;
	[bflag:$0x2] =	sbarrier.arrive $0xFFFF  }
0x1ba: {  	p0 =	sne.s32 s0, $0x0;
	s0 =	rddreg [dreg:$0x5]  }
0x1bb: {  	s0 =	sadd.s32 @!p0 $0x100000, s0  }
0x1bc: {  	[sflag:s0] =	ssyncadd.tile.s32 @!p0 $0x1;
	_ =	shalt  }
.Lfunc_end2:
_tile_overlayer_lowered:
.L_overlay_start_2:
0x1bd: {  	(tag) =	ssettag $0x2  }
0x1be: {  	s0 =	rddreg [dreg:$0x0];
	s2 =	stileid.u32  }
0x1bf: {  	s1 =	rddreg [dreg:$0x1];
	p0 =	sne.s32 s2, $0x0  }
0x1c0: {  	s3 =	rddreg [dreg:$0x2];
	[bflag:$0x3] =	sbarrier.arrive $0xFFFF;
	s2 =	simm.s32 @!p0 $0x1C03  }
0x1c1: {  	[timem:s3], [sflag:s2] =	dma.local @!p0 [hbm:s0], s1  }
0x1c2: {  	s0 =	simm.s32 @!p0 $0x3  }
0x1c3: {  	_ =	swait.ge @!p0 [sflag:s0], s1  }
0x1c4: {  	s1 =	ssub.s32 @!p0 $0x0, s1;
	[sflag:s0] =	ssyncset.done @!p0 $0x0  }
0x1c5: {  	[sflag:s0] =	ssyncadd.s32 @!p0 s1  }
0x1c6: {  	[bflag:$0x3] =	sbarrier.arrive $0xFFFF  }
0x1c7: {  	_ =	shalt  }

</sc_bundles>
